<compile_context>
chip_gen: v7x
topology: tpu7x:2x2x1
jax: 0.10.2.dev20260603
libtpu: 0.0.44.dev20260713+nightly
codegen_flags: <defaults>
</compile_context>

<pallas_src>
import dataclasses
import functools

import jax
import jax.numpy as jnp
from jax import lax
from jax.experimental import pallas as pl
from jax.experimental.pallas import tpu as pltpu
from jax.experimental.pallas import tpu_sc as plsc

N_NODES = 100000
N_EDGES = 6400000
NC = 2
NS = 16
NW = NC * NS
EPW = N_EDGES // NW
CH = 80
NCHUNK = EPW // CH
NQ = N_NODES // 4

_mesh = plsc.VectorSubcoreMesh(
    core_axis_name="c", subcore_axis_name="s", num_cores=NC, num_subcores=NS)

_cparams = pltpu.CompilerParams()
if "needs_layout_passes" in pltpu.CompilerParams.__dataclass_fields__:
    _cparams = dataclasses.replace(_cparams, needs_layout_passes=False)
if "use_tc_tiling_on_sc" in pltpu.CompilerParams.__dataclass_fields__:
    _cparams = dataclasses.replace(_cparams, use_tc_tiling_on_sc=False)


def _edge_kernel(layer1: bool):
    NP = N_NODES if layer1 else N_NODES // 2
    npsh = 0 if layer1 else 1

    @functools.partial(
        pl.kernel,
        out_type=[jax.ShapeDtypeStruct((NP, 16), jnp.float32),
                  jax.ShapeDtypeStruct((NP, 16), jnp.float32),
                  jax.ShapeDtypeStruct((NQ, 16), jnp.float32),
                  jax.ShapeDtypeStruct((NQ, 16), jnp.float32)],
        mesh=_mesh,
        compiler_params=_cparams,
        scratch_types=[
            pltpu.VMEM((CH,), jnp.int32),
            pltpu.VMEM((CH,), jnp.int32),
            pltpu.VMEM((CH,), jnp.int32),
            pltpu.VMEM((CH,), jnp.int32),
            pltpu.VMEM((CH,), jnp.int32),
            pltpu.VMEM((CH, 16), jnp.float32),
            pltpu.VMEM((CH, 16), jnp.float32),
            pltpu.VMEM((CH, 16), jnp.float32),
            pltpu.VMEM((CH, 16), jnp.float32),
            pltpu.VMEM((16,), jnp.float32),
            pltpu.VMEM_SHARED((NP, 16), jnp.float32),
            pltpu.VMEM_SHARED((NQ, 16), jnp.float32),
            pltpu.SemaphoreType.DMA,
            pltpu.SemaphoreType.DMA,
        ],
    )
    def edge_kernel(src_hbm, dst_hbm, spk_hbm, ad_hbm,
                    outp0, outp1, outd0, outd1,
                    sidx, didx, dpix, dqix, ridx, spkv, adv, rowsP, rowsD,
                    exb, accP, accD, sem0, sem1):
        cid = lax.axis_index("c")
        sid = lax.axis_index("s")
        wid = cid * NS + sid
        lane = lax.iota(jnp.int32, 16)
        e4 = lane >> 2
        h4 = lane & 3
        z16 = jnp.zeros((16,), jnp.float32)

        def fill_ridx(base):
            for t in range(CH // 16):
                ridx[pl.ds(16 * t, 16)] = lane + (base + 16 * t)

        def sweep(acc, ntot, body):
            per = -(-ntot // NS)
            nch = -(-per // CH)
            rbeg = jnp.minimum(sid * per, ntot - per)

            @pl.loop(0, nch)
            def _(k):
                fill_ridx(rbeg + jnp.minimum(k * CH, per - CH))
                body(acc)

        def zero_rows(buf):
            @pl.loop(0, CH)
            def _(j):
                buf[j, :] = z16

        zero_rows(rowsP)

        def zinit(acc):
            pltpu.sync_copy(rowsP, acc.at[ridx])

        sweep(accP, NP, zinit)
        sweep(accD, NQ, zinit)
        plsc.subcore_barrier()

        @pl.loop(0, NCHUNK)
        def _chunk(ci):
            base = pl.multiple_of(wid * EPW + ci * CH, 8)
            cp0 = pltpu.async_copy(src_hbm.at[pl.ds(base, CH)], sidx, sem0)
            cp1 = pltpu.async_copy(dst_hbm.at[pl.ds(base, CH)], didx, sem1)
            cp0.wait()
            cp1.wait()
            cp2 = pltpu.async_copy(spk_hbm.at[sidx], spkv, sem0)
            cp3 = pltpu.async_copy(ad_hbm.at[didx], adv, sem1)

            @pl.loop(0, CH, step=16)
            def _ix(o):
                dv = didx[pl.ds(o, 16)]
                dqix[pl.ds(o, 16)] = dv >> 2
                if npsh:
                    dpix[pl.ds(o, 16)] = dv >> npsh

            cp2.wait()
            cp3.wait()

            zero_rows(rowsD)
            if not layer1:
                zero_rows(rowsP)

            @pl.loop(0, CH, step=4)
            def _grp(j):
                asv = plsc.load_gather(spkv, [j + e4, h4])
                advv = plsc.load_gather(adv, [j + e4, h4])
                t = asv + advv
                ex = jnp.exp(jnp.maximum(t, 0.2 * t))
                exb[...] = ex
                dstv = plsc.load_gather(didx, [j + e4])
                plsc.store_scatter(rowsD, [j + e4, (dstv & 3) * 4 + h4], ex)
                if layer1:
                    for e in range(4):
                        exv = plsc.load_gather(exb, [e * 4 + e4])
                        row = jnp.zeros((16,), jnp.int32) + (j + e)
                        xv = plsc.load_gather(spkv, [row, h4 + 4])
                        rowsP[j + e, :] = exv * xv
                else:
                    c8 = lane & 7
                    for hf in range(2):
                        er = (lane >> 3) + 2 * hf
                        exv = plsc.load_gather(exb, [er * 4 + (c8 >> 1)])
                        pv = plsc.load_gather(spkv, [j + er, c8 + 4])
                        d2 = plsc.load_gather(didx, [j + er])
                        plsc.store_scatter(
                            rowsP, [j + er, (d2 & 1) * 8 + c8], exv * pv)

            pidx = didx if layer1 else dpix
            sc0 = pltpu.async_copy(rowsP, accP.at[pidx], sem0, add=True)
            sc1 = pltpu.async_copy(rowsD, accD.at[dqix], sem1, add=True)
            sc0.wait()
            sc1.wait()

        plsc.subcore_barrier()

        def drain(dst_ref):
            def body(acc):
                pltpu.sync_copy(acc.at[ridx], rowsP)
                pltpu.sync_copy(rowsP, dst_ref.at[ridx])
            return body

        @pl.when(cid == 0)
        def _():
            sweep(accP, NP, drain(outp0))
            sweep(accD, NQ, drain(outd0))

        @pl.when(cid == 1)
        def _():
            sweep(accP, NP, drain(outp1))
            sweep(accD, NQ, drain(outd1))

    return edge_kernel


_edge_l1 = _edge_kernel(True)
_edge_l2 = _edge_kernel(False)


def _leaky_exp(t):
    return jnp.exp(jnp.maximum(t, 0.2 * t))


def kernel(x, edge_index, W1, a_src1, a_dst1, b1, W2, a_src2, a_dst2, b2,
           Wout, bout):
    N = x.shape[0]
    f32 = jnp.float32
    src = edge_index[0]
    dst = edge_index[1]
    pad4 = jnp.zeros((N, 4), f32)
    pad8 = jnp.zeros((N, 8), f32)
    pad12 = jnp.zeros((N, 12), f32)

    W1h = W1.reshape(4, 4, 16)
    As1 = jnp.einsum("khc,hc->kh", W1h, a_src1)
    Ad1 = jnp.einsum("khc,hc->kh", W1h, a_dst1)
    as1 = x @ As1
    ad1 = x @ Ad1
    spk1 = jnp.concatenate([as1, x, pad8], axis=1)
    adp1 = jnp.concatenate([ad1, pad12], axis=1)
    p0, p1, d0, d1 = _edge_l1(src, dst, spk1, adp1)
    exs1 = _leaky_exp(as1 + ad1)
    s1 = (p0 + p1).reshape(N, 4, 4) + exs1[:, :, None] * x[:, None, :]
    denom1 = (d0 + d1).reshape(N, 4) + exs1 + 1e-16
    out1 = jnp.einsum("nhk,khc->nhc", s1, W1h) / denom1[:, :, None]
    h1 = jax.nn.elu(out1.reshape(N, 64) + b1)

    h2p = h1 @ W2
    h2r = h2p.reshape(N, 4, 2)
    as2 = (h2r * a_src2[None]).sum(-1)
    ad2 = (h2r * a_dst2[None]).sum(-1)
    spk2 = jnp.concatenate([as2, h2p, pad4], axis=1)
    adp2 = jnp.concatenate([ad2, pad12], axis=1)
    q0, q1, e0, e1 = _edge_l2(src, dst, spk2, adp2)
    exs2 = _leaky_exp(as2 + ad2)
    num2 = (q0 + q1).reshape(N, 4, 2) + exs2[:, :, None] * h2r
    denom2 = (e0 + e1).reshape(N, 4) + exs2 + 1e-16
    h2 = jax.nn.elu((num2 / denom2[:, :, None]).reshape(N, 8) + b2)

    pooled = jnp.mean(h2, axis=0, keepdims=True)
    return jax.nn.sigmoid(pooled @ Wout + bout)

# --- scband reference (transcript-rebuilt; emitter-appended) ---
"""Pipeline reference for scband-gatmodel-12695923327312 (READ-ONLY COPY).

The authoritative reference and input builder live on the scoring server;
editing this copy changes nothing except your own understanding.
"""

import jax, jax.numpy as jnp
import numpy as np

N_NODES = 100000
N_EDGES = 6400000


def gat_conv(x, src, dst, W, a_s, a_d, b, heads, out_ch):
    N = x.shape[0]
    h = (x @ W).reshape(N, heads, out_ch)
    alpha_s = (h * a_s[None]).sum(-1)
    alpha_d = (h * a_d[None]).sum(-1)
    e = jax.nn.leaky_relu(alpha_s[src] + alpha_d[dst], 0.2)
    m = jax.ops.segment_max(e, dst, num_segments=N)
    m = jnp.where(jnp.isfinite(m), m, 0.0)
    ex = jnp.exp(e - m[dst])
    denom = jax.ops.segment_sum(ex, dst, num_segments=N)
    alpha = ex / (denom[dst] + 1e-16)
    out = jax.ops.segment_sum(h[src] * alpha[:, :, None], dst, num_segments=N)
    return out.reshape(N, heads * out_ch) + b


def setup_inputs(seed: int = 0) -> dict:
    key = jax.random.key(seed)
    ks = [jax.random.fold_in(key, i) for i in range(12)]
    x = jax.random.normal(ks[0], (N_NODES, 4), dtype=jnp.float32)
    edge_index = jax.random.randint(ks[1], (2, N_EDGES), 0, N_NODES, dtype=jnp.int64 if jax.config.read('jax_enable_x64') else jnp.int32).astype(jnp.int32)
    W1 = jax.random.normal(ks[2], (4, 64), dtype=jnp.float32) * 0.1
    a_src1 = jax.random.normal(ks[3], (4, 16), dtype=jnp.float32) * 0.1
    a_dst1 = jax.random.normal(ks[4], (4, 16), dtype=jnp.float32) * 0.1
    b1 = jnp.zeros((64,), dtype=jnp.float32)
    W2 = jax.random.normal(ks[5], (64, 8), dtype=jnp.float32) * 0.1
    a_src2 = jax.random.normal(ks[6], (4, 2), dtype=jnp.float32) * 0.1
    a_dst2 = jax.random.normal(ks[7], (4, 2), dtype=jnp.float32) * 0.1
    b2 = jnp.zeros((8,), dtype=jnp.float32)
    Wout = jax.random.normal(ks[8], (8, 1), dtype=jnp.float32) * 0.1
    bout = jnp.zeros((1,), dtype=jnp.float32)
    return {"x": x, "edge_index": edge_index, "W1": W1, "a_src1": a_src1, "a_dst1": a_dst1, "b1": b1, "W2": W2, "a_src2": a_src2, "a_dst2": a_dst2, "b2": b2, "Wout": Wout, "bout": bout}


def reference(x, edge_index, W1, a_src1, a_dst1, b1, W2, a_src2, a_dst2, b2, Wout, bout):
    N = x.shape[0]
    loop = jnp.arange(N, dtype=edge_index.dtype)
    src = jnp.concatenate([edge_index[0], loop])
    dst = jnp.concatenate([edge_index[1], loop])
    h1 = jax.nn.elu(gat_conv(x, src, dst, W1, a_src1, a_dst1, b1, 4, 16))
    h2 = jax.nn.elu(gat_conv(h1, src, dst, W2, a_src2, a_dst2, b2, 4, 2))
    pooled = jnp.mean(h2, axis=0, keepdims=True)
    out = jax.nn.sigmoid(pooled @ Wout + bout)
    return out

if __name__ == "__main__":
    import jax
    _d = setup_inputs()
    print(jax.jit(kernel)(*tuple(_d.values())))

</pallas_src>

<mosaic_0001>
#map = affine_map<(d0, d1) -> (0)>
#map1 = affine_map<(d0, d1) -> (0, 0)>
module attributes {stable_mosaic.version = 14 : i64} {
  func.func @edge_kernel(%arg0: i32, %arg1: i32, %arg2: memref<6400000xi32, #tpu.memory_space<hbm>>, %arg3: memref<6400000xi32, #tpu.memory_space<hbm>>, %arg4: memref<100000x16xf32, #tpu.memory_space<hbm>>, %arg5: memref<100000x16xf32, #tpu.memory_space<hbm>>, %arg6: memref<100000x16xf32, #tpu.memory_space<hbm>>, %arg7: memref<100000x16xf32, #tpu.memory_space<hbm>>, %arg8: memref<25000x16xf32, #tpu.memory_space<hbm>>, %arg9: memref<25000x16xf32, #tpu.memory_space<hbm>>, %arg10: memref<80xi32, #tpu.memory_space<vmem>>, %arg11: memref<80xi32, #tpu.memory_space<vmem>>, %arg12: memref<80xi32, #tpu.memory_space<vmem>>, %arg13: memref<80xi32, #tpu.memory_space<vmem>>, %arg14: memref<80xi32, #tpu.memory_space<vmem>>, %arg15: memref<80x16xf32, #tpu.memory_space<vmem>>, %arg16: memref<80x16xf32, #tpu.memory_space<vmem>>, %arg17: memref<80x16xf32, #tpu.memory_space<vmem>>, %arg18: memref<80x16xf32, #tpu.memory_space<vmem>>, %arg19: memref<16xf32, #tpu.memory_space<vmem>>, %arg20: memref<100000x16xf32, #tpu.memory_space<vmem_shared>>, %arg21: memref<25000x16xf32, #tpu.memory_space<vmem_shared>>, %arg22: memref<!tpu.dma_semaphore, #tpu.memory_space<semaphore_mem>>, %arg23: memref<!tpu.dma_semaphore, #tpu.memory_space<semaphore_mem>>) attributes {dimension_semantics = [#tpu.dimension_semantics<core_parallel>, #tpu.dimension_semantics<subcore_parallel>], iteration_bounds = array<i64: 2, 16>, scalar_prefetch = 0 : i64, scratch_operands = 14 : i64, tpu.core_type = #tpu.core_type<sc_vector_subcore>, window_params = [{transform_indices = #map}, {transform_indices = #map}, {transform_indices = #map1}, {transform_indices = #map1}, {transform_indices = #map1}, {transform_indices = #map1}, {transform_indices = #map1}, {transform_indices = #map1}]} {
    %mul3A = arith.constant 16 : i32
    %mul3A_0 = arith.muli %arg0, %mul3A : i32
    %add3A = arith.addi %mul3A_0, %arg1 : i32
    %iota3A = tpu.iota {dimensions = array<i32: 0>} : vector<16xi32>
    %shift_right_arithmetic3A = arith.constant 2 : i32
    %shift_right_arithmetic3A_1 = vector.broadcast %shift_right_arithmetic3A : i32 to vector<16xi32>
    %shift_right_arithmetic3A_2 = arith.shrsi %iota3A, %shift_right_arithmetic3A_1 : vector<16xi32>
    %and3A = arith.constant 3 : i32
    %and3A_3 = vector.broadcast %and3A : i32 to vector<16xi32>
    %and3A_4 = arith.andi %iota3A, %and3A_3 : vector<16xi32>
    %broadcast_in_dim3A = arith.constant 0.000000e+00 : f32
    %broadcast_in_dim3A_5 = vector.broadcast %broadcast_in_dim3A : f32 to vector<16xf32>
    %scan3A = arith.constant 0 : i32
    %scan3A_6 = arith.constant 80 : i32
    %scan3A_7 = arith.addi %scan3A, %scan3A_6 : i32
    %scan3A_8 = arith.constant 1 : i32
    scf.for %scan3A_40 = %scan3A to %scan3A_7 step %scan3A_8  : i32 {
      %mul3A_41 = arith.constant 1 : i32
      %mul3A_42 = arith.muli %scan3A_40, %mul3A_41 : i32
      %add3A_43 = arith.constant 0 : i32
      %add3A_44 = arith.addi %add3A_43, %mul3A_42 : i32
      %swap3A = arith.index_cast %add3A_44 : i32 to index
      %swap3A_45 = arith.constant 0 : index
      %swap3A_46 = tpu.vector_load %arg17[%swap3A, %swap3A_45] {strides = array<i32>} : memref<80x16xf32, #tpu.memory_space<vmem>>, vector<16xf32>,
      tpu.vector_store %arg17[%swap3A, %swap3A_45], %broadcast_in_dim3A_5 {strides = array<i32>} : memref<80x16xf32, #tpu.memory_space<vmem>>, vector<16xf32>,
    }
    %scan3A_9 = arith.constant 80 : i32
    %mul3A_10 = arith.constant 6250 : i32
    %mul3A_11 = arith.muli %arg1, %mul3A_10 : i32
    %min3A = arith.constant 93750 : i32
    %min3A_12 = arith.minsi %mul3A_11, %min3A : i32
    %scan3A_13 = arith.constant 0 : i32
    %scan3A_14 = arith.constant 79 : i32
    %scan3A_15 = arith.addi %scan3A_13, %scan3A_14 : i32
    %scan3A_16 = arith.constant 1 : i32
    scf.for %scan3A_40 = %scan3A_13 to %scan3A_15 step %scan3A_16  : i32 {
      %mul3A_41 = arith.constant 1 : i32
      %mul3A_42 = arith.muli %scan3A_40, %mul3A_41 : i32
      %add3A_43 = arith.constant 0 : i32
      %add3A_44 = arith.addi %add3A_43, %mul3A_42 : i32
      %mul3A_45 = arith.constant 80 : i32
      %mul3A_46 = arith.muli %add3A_44, %mul3A_45 : i32
      %min3A_47 = arith.constant 6170 : i32
      %min3A_48 = arith.minsi %mul3A_46, %min3A_47 : i32
      %add3A_49 = arith.addi %min3A_12, %min3A_48 : i32
      %add3A_50 = arith.constant 0 : i32
      %add3A_51 = arith.addi %add3A_49, %add3A_50 : i32
      %add3A_52 = vector.broadcast %add3A_51 : i32 to vector<16xi32>
      %add3A_53 = arith.addi %iota3A, %add3A_52 : vector<16xi32>
      %swap3A = arith.constant 0 : index
      %swap3A_54 = tpu.vector_load %arg14[%swap3A] {strides = array<i32>} : memref<80xi32, #tpu.memory_space<vmem>>, vector<16xi32>,
      tpu.vector_store %arg14[%swap3A], %add3A_53 {strides = array<i32>} : memref<80xi32, #tpu.memory_space<vmem>>, vector<16xi32>,
      %add3A_55 = arith.constant 16 : i32
      %add3A_56 = arith.addi %add3A_49, %add3A_55 : i32
      %add3A_57 = vector.broadcast %add3A_56 : i32 to vector<16xi32>
      %add3A_58 = arith.addi %iota3A, %add3A_57 : vector<16xi32>
      %swap3A_59 = arith.constant 16 : index
      %swap3A_60 = tpu.vector_load %arg14[%swap3A_59] {strides = array<i32>} : memref<80xi32, #tpu.memory_space<vmem>>, vector<16xi32>,
      tpu.vector_store %arg14[%swap3A_59], %add3A_58 {strides = array<i32>} : memref<80xi32, #tpu.memory_space<vmem>>, vector<16xi32>,
      %add3A_61 = arith.constant 32 : i32
      %add3A_62 = arith.addi %add3A_49, %add3A_61 : i32
      %add3A_63 = vector.broadcast %add3A_62 : i32 to vector<16xi32>
      %add3A_64 = arith.addi %iota3A, %add3A_63 : vector<16xi32>
      %swap3A_65 = arith.constant 32 : index
      %swap3A_66 = tpu.vector_load %arg14[%swap3A_65] {strides = array<i32>} : memref<80xi32, #tpu.memory_space<vmem>>, vector<16xi32>,
      tpu.vector_store %arg14[%swap3A_65], %add3A_64 {strides = array<i32>} : memref<80xi32, #tpu.memory_space<vmem>>, vector<16xi32>,
      %add3A_67 = arith.constant 48 : i32
      %add3A_68 = arith.addi %add3A_49, %add3A_67 : i32
      %add3A_69 = vector.broadcast %add3A_68 : i32 to vector<16xi32>
      %add3A_70 = arith.addi %iota3A, %add3A_69 : vector<16xi32>
      %swap3A_71 = arith.constant 48 : index
      %swap3A_72 = tpu.vector_load %arg14[%swap3A_71] {strides = array<i32>} : memref<80xi32, #tpu.memory_space<vmem>>, vector<16xi32>,
      tpu.vector_store %arg14[%swap3A_71], %add3A_70 {strides = array<i32>} : memref<80xi32, #tpu.memory_space<vmem>>, vector<16xi32>,
      %add3A_73 = arith.constant 64 : i32
      %add3A_74 = arith.addi %add3A_49, %add3A_73 : i32
      %add3A_75 = vector.broadcast %add3A_74 : i32 to vector<16xi32>
      %add3A_76 = arith.addi %iota3A, %add3A_75 : vector<16xi32>
      %swap3A_77 = arith.constant 64 : index
      %swap3A_78 = tpu.vector_load %arg14[%swap3A_77] {strides = array<i32>} : memref<80xi32, #tpu.memory_space<vmem>>, vector<16xi32>,
      tpu.vector_store %arg14[%swap3A_77], %add3A_76 {strides = array<i32>} : memref<80xi32, #tpu.memory_space<vmem>>, vector<16xi32>,
      "tpu.region"() ({
        %run_scoped3A = tpu.sem_alloc : memref<!tpu.dma_semaphore, #tpu.memory_space<semaphore_mem>>
        %dma_start3A = arith.constant 0 : i32
        %dma_start3A_79 = arith.constant 0 : i32
        %dma_start3A_80 = tpu.memref_slice %arg20[%dma_start3A, %dma_start3A_79] : memref<100000x16xf32, #tpu.memory_space<vmem_shared>> -> memref<100000x16xf32, #tpu.memory_space<vmem_shared>>
        tpu.enqueue_indirect_dma source(%arg17 : memref<80x16xf32, #tpu.memory_space<vmem>>) target(%dma_start3A_80 : memref<100000x16xf32, #tpu.memory_space<vmem_shared>>) offsets(%arg14 : memref<80xi32, #tpu.memory_space<vmem>>) semaphore(%run_scoped3A : memref<!tpu.dma_semaphore, #tpu.memory_space<semaphore_mem>>)
        %dma_wait3A = arith.constant 0 : i32
        %dma_wait3A_81 = arith.constant 0 : i32
        %dma_wait3A_82 = tpu.memref_slice %arg20[%dma_wait3A, %dma_wait3A_81] : memref<100000x16xf32, #tpu.memory_space<vmem_shared>> -> memref<100000x16xf32, #tpu.memory_space<vmem_shared>>
        tpu.wait_indirect_dma semaphore(%run_scoped3A : memref<!tpu.dma_semaphore, #tpu.memory_space<semaphore_mem>>) src(%arg17 : memref<80x16xf32, #tpu.memory_space<vmem>>) dst(%dma_wait3A_82 : memref<100000x16xf32, #tpu.memory_space<vmem_shared>>)
        tpu.yield
      }) : () -> ()
    }
    %scan3A_17 = arith.constant 79 : i32
    %mul3A_18 = arith.constant 1563 : i32
    %mul3A_19 = arith.muli %arg1, %mul3A_18 : i32
    %min3A_20 = arith.constant 23437 : i32
    %min3A_21 = arith.minsi %mul3A_19, %min3A_20 : i32
    %scan3A_22 = arith.constant 0 : i32
    %scan3A_23 = arith.constant 20 : i32
    %scan3A_24 = arith.addi %scan3A_22, %scan3A_23 : i32
    %scan3A_25 = arith.constant 1 : i32
    scf.for %scan3A_40 = %scan3A_22 to %scan3A_24 step %scan3A_25  : i32 {
      %mul3A_41 = arith.constant 1 : i32
      %mul3A_42 = arith.muli %scan3A_40, %mul3A_41 : i32
      %add3A_43 = arith.constant 0 : i32
      %add3A_44 = arith.addi %add3A_43, %mul3A_42 : i32
      %mul3A_45 = arith.constant 80 : i32
      %mul3A_46 = arith.muli %add3A_44, %mul3A_45 : i32
      %min3A_47 = arith.constant 1483 : i32
      %min3A_48 = arith.minsi %mul3A_46, %min3A_47 : i32
      %add3A_49 = arith.addi %min3A_21, %min3A_48 : i32
      %add3A_50 = arith.constant 0 : i32
      %add3A_51 = arith.addi %add3A_49, %add3A_50 : i32
      %add3A_52 = vector.broadcast %add3A_51 : i32 to vector<16xi32>
      %add3A_53 = arith.addi %iota3A, %add3A_52 : vector<16xi32>
      %swap3A = arith.constant 0 : index
      %swap3A_54 = tpu.vector_load %arg14[%swap3A] {strides = array<i32>} : memref<80xi32, #tpu.memory_space<vmem>>, vector<16xi32>,
      tpu.vector_store %arg14[%swap3A], %add3A_53 {strides = array<i32>} : memref<80xi32, #tpu.memory_space<vmem>>, vector<16xi32>,
      %add3A_55 = arith.constant 16 : i32
      %add3A_56 = arith.addi %add3A_49, %add3A_55 : i32
      %add3A_57 = vector.broadcast %add3A_56 : i32 to vector<16xi32>
      %add3A_58 = arith.addi %iota3A, %add3A_57 : vector<16xi32>
      %swap3A_59 = arith.constant 16 : index
      %swap3A_60 = tpu.vector_load %arg14[%swap3A_59] {strides = array<i32>} : memref<80xi32, #tpu.memory_space<vmem>>, vector<16xi32>,
      tpu.vector_store %arg14[%swap3A_59], %add3A_58 {strides = array<i32>} : memref<80xi32, #tpu.memory_space<vmem>>, vector<16xi32>,
      %add3A_61 = arith.constant 32 : i32
      %add3A_62 = arith.addi %add3A_49, %add3A_61 : i32
      %add3A_63 = vector.broadcast %add3A_62 : i32 to vector<16xi32>
      %add3A_64 = arith.addi %iota3A, %add3A_63 : vector<16xi32>
      %swap3A_65 = arith.constant 32 : index
      %swap3A_66 = tpu.vector_load %arg14[%swap3A_65] {strides = array<i32>} : memref<80xi32, #tpu.memory_space<vmem>>, vector<16xi32>,
      tpu.vector_store %arg14[%swap3A_65], %add3A_64 {strides = array<i32>} : memref<80xi32, #tpu.memory_space<vmem>>, vector<16xi32>,
      %add3A_67 = arith.constant 48 : i32
      %add3A_68 = arith.addi %add3A_49, %add3A_67 : i32
      %add3A_69 = vector.broadcast %add3A_68 : i32 to vector<16xi32>
      %add3A_70 = arith.addi %iota3A, %add3A_69 : vector<16xi32>
      %swap3A_71 = arith.constant 48 : index
      %swap3A_72 = tpu.vector_load %arg14[%swap3A_71] {strides = array<i32>} : memref<80xi32, #tpu.memory_space<vmem>>, vector<16xi32>,
      tpu.vector_store %arg14[%swap3A_71], %add3A_70 {strides = array<i32>} : memref<80xi32, #tpu.memory_space<vmem>>, vector<16xi32>,
      %add3A_73 = arith.constant 64 : i32
      %add3A_74 = arith.addi %add3A_49, %add3A_73 : i32
      %add3A_75 = vector.broadcast %add3A_74 : i32 to vector<16xi32>
      %add3A_76 = arith.addi %iota3A, %add3A_75 : vector<16xi32>
      %swap3A_77 = arith.constant 64 : index
      %swap3A_78 = tpu.vector_load %arg14[%swap3A_77] {strides = array<i32>} : memref<80xi32, #tpu.memory_space<vmem>>, vector<16xi32>,
      tpu.vector_store %arg14[%swap3A_77], %add3A_76 {strides = array<i32>} : memref<80xi32, #tpu.memory_space<vmem>>, vector<16xi32>,
      "tpu.region"() ({
        %run_scoped3A = tpu.sem_alloc : memref<!tpu.dma_semaphore, #tpu.memory_space<semaphore_mem>>
        %dma_start3A = arith.constant 0 : i32
        %dma_start3A_79 = arith.constant 0 : i32
        %dma_start3A_80 = tpu.memref_slice %arg21[%dma_start3A, %dma_start3A_79] : memref<25000x16xf32, #tpu.memory_space<vmem_shared>> -> memref<25000x16xf32, #tpu.memory_space<vmem_shared>>
        tpu.enqueue_indirect_dma source(%arg17 : memref<80x16xf32, #tpu.memory_space<vmem>>) target(%dma_start3A_80 : memref<25000x16xf32, #tpu.memory_space<vmem_shared>>) offsets(%arg14 : memref<80xi32, #tpu.memory_space<vmem>>) semaphore(%run_scoped3A : memref<!tpu.dma_semaphore, #tpu.memory_space<semaphore_mem>>)
        %dma_wait3A = arith.constant 0 : i32
        %dma_wait3A_81 = arith.constant 0 : i32
        %dma_wait3A_82 = tpu.memref_slice %arg21[%dma_wait3A, %dma_wait3A_81] : memref<25000x16xf32, #tpu.memory_space<vmem_shared>> -> memref<25000x16xf32, #tpu.memory_space<vmem_shared>>
        tpu.wait_indirect_dma semaphore(%run_scoped3A : memref<!tpu.dma_semaphore, #tpu.memory_space<semaphore_mem>>) src(%arg17 : memref<80x16xf32, #tpu.memory_space<vmem>>) dst(%dma_wait3A_82 : memref<25000x16xf32, #tpu.memory_space<vmem_shared>>)
        tpu.yield
      }) : () -> ()
    }
    %scan3A_26 = arith.constant 20 : i32
    %barrier3A = arith.constant 0 : index
    tpu.barrier barrier_id(%barrier3A)
    %scan3A_27 = arith.constant 0 : i32
    %scan3A_28 = arith.constant 2500 : i32
    %scan3A_29 = arith.addi %scan3A_27, %scan3A_28 : i32
    %scan3A_30 = arith.constant 1 : i32
    scf.for %scan3A_40 = %scan3A_27 to %scan3A_29 step %scan3A_30  : i32 {
      %mul3A_41 = arith.constant 1 : i32
      %mul3A_42 = arith.muli %scan3A_40, %mul3A_41 : i32
      %add3A_43 = arith.constant 0 : i32
      %add3A_44 = arith.addi %add3A_43, %mul3A_42 : i32
      %mul3A_45 = arith.constant 200000 : i32
      %mul3A_46 = arith.muli %add3A, %mul3A_45 : i32
      %mul3A_47 = arith.constant 80 : i32
      %mul3A_48 = arith.muli %add3A_44, %mul3A_47 : i32
      %add3A_49 = arith.addi %mul3A_46, %mul3A_48 : i32
      %multiple_of3A = tpu.assume_multiple %add3A_49, 8 : i32
      %dma_start3A = tpu.memref_slice %arg2[%multiple_of3A] : memref<6400000xi32, #tpu.memory_space<hbm>> -> memref<80xi32, #tpu.memory_space<hbm>>
      %dma_start3A_50 = tpu.memref_slice %arg2[%multiple_of3A] : memref<6400000xi32, #tpu.memory_space<hbm>> -> memref<80xi32, #tpu.memory_space<hbm>>
      tpu.enqueue_dma source(%dma_start3A_50 : memref<80xi32, #tpu.memory_space<hbm>>) target(%arg10 : memref<80xi32, #tpu.memory_space<vmem>>) target_semaphore(%arg22 : memref<!tpu.dma_semaphore, #tpu.memory_space<semaphore_mem>>)
      %dma_start3A_51 = tpu.memref_slice %arg3[%multiple_of3A] : memref<6400000xi32, #tpu.memory_space<hbm>> -> memref<80xi32, #tpu.memory_space<hbm>>
      %dma_start3A_52 = tpu.memref_slice %arg3[%multiple_of3A] : memref<6400000xi32, #tpu.memory_space<hbm>> -> memref<80xi32, #tpu.memory_space<hbm>>
      tpu.enqueue_dma source(%dma_start3A_52 : memref<80xi32, #tpu.memory_space<hbm>>) target(%arg11 : memref<80xi32, #tpu.memory_space<vmem>>) target_semaphore(%arg23 : memref<!tpu.dma_semaphore, #tpu.memory_space<semaphore_mem>>)
      %dma_wait3A = tpu.memref_slice %arg2[%multiple_of3A] : memref<6400000xi32, #tpu.memory_space<hbm>> -> memref<80xi32, #tpu.memory_space<hbm>>
      %dma_wait3A_53 = tpu.memref_slice %arg2[%multiple_of3A] : memref<6400000xi32, #tpu.memory_space<hbm>> -> memref<80xi32, #tpu.memory_space<hbm>>
      tpu.wait_dma2 semaphore(%arg22 : memref<!tpu.dma_semaphore, #tpu.memory_space<semaphore_mem>>) src(%dma_wait3A_53 : memref<80xi32, #tpu.memory_space<hbm>>) dst(%arg10 : memref<80xi32, #tpu.memory_space<vmem>>)
      %dma_wait3A_54 = tpu.memref_slice %arg3[%multiple_of3A] : memref<6400000xi32, #tpu.memory_space<hbm>> -> memref<80xi32, #tpu.memory_space<hbm>>
      %dma_wait3A_55 = tpu.memref_slice %arg3[%multiple_of3A] : memref<6400000xi32, #tpu.memory_space<hbm>> -> memref<80xi32, #tpu.memory_space<hbm>>
      tpu.wait_dma2 semaphore(%arg23 : memref<!tpu.dma_semaphore, #tpu.memory_space<semaphore_mem>>) src(%dma_wait3A_55 : memref<80xi32, #tpu.memory_space<hbm>>) dst(%arg11 : memref<80xi32, #tpu.memory_space<vmem>>)
      %dma_start3A_56 = arith.constant 0 : i32
      %dma_start3A_57 = arith.constant 0 : i32
      %dma_start3A_58 = tpu.memref_slice %arg4[%dma_start3A_56, %dma_start3A_57] : memref<100000x16xf32, #tpu.memory_space<hbm>> -> memref<100000x16xf32, #tpu.memory_space<hbm>>
      tpu.enqueue_indirect_dma source(%dma_start3A_58 : memref<100000x16xf32, #tpu.memory_space<hbm>>) target(%arg15 : memref<80x16xf32, #tpu.memory_space<vmem>>) offsets(%arg10 : memref<80xi32, #tpu.memory_space<vmem>>) semaphore(%arg22 : memref<!tpu.dma_semaphore, #tpu.memory_space<semaphore_mem>>)
      %dma_start3A_59 = arith.constant 0 : i32
      %dma_start3A_60 = arith.constant 0 : i32
      %dma_start3A_61 = tpu.memref_slice %arg5[%dma_start3A_59, %dma_start3A_60] : memref<100000x16xf32, #tpu.memory_space<hbm>> -> memref<100000x16xf32, #tpu.memory_space<hbm>>
      tpu.enqueue_indirect_dma source(%dma_start3A_61 : memref<100000x16xf32, #tpu.memory_space<hbm>>) target(%arg16 : memref<80x16xf32, #tpu.memory_space<vmem>>) offsets(%arg11 : memref<80xi32, #tpu.memory_space<vmem>>) semaphore(%arg23 : memref<!tpu.dma_semaphore, #tpu.memory_space<semaphore_mem>>)
      %scan3A_62 = arith.constant 0 : i32
      %scan3A_63 = arith.constant 5 : i32
      %scan3A_64 = arith.addi %scan3A_62, %scan3A_63 : i32
      %scan3A_65 = arith.constant 1 : i32
      scf.for %scan3A_95 = %scan3A_62 to %scan3A_64 step %scan3A_65  : i32 {
        %mul3A_96 = arith.constant 16 : i32
        %mul3A_97 = arith.muli %scan3A_95, %mul3A_96 : i32
        %add3A_98 = arith.constant 0 : i32
        %add3A_99 = arith.addi %add3A_98, %mul3A_97 : i32
        %get3A = arith.index_cast %add3A_99 : i32 to index
        %get3A_100 = tpu.vector_load %arg11[%get3A] {strides = array<i32>} : memref<80xi32, #tpu.memory_space<vmem>>, vector<16xi32>,
        %shift_right_arithmetic3A_101 = arith.constant 2 : i32
        %shift_right_arithmetic3A_102 = vector.broadcast %shift_right_arithmetic3A_101 : i32 to vector<16xi32>
        %shift_right_arithmetic3A_103 = arith.shrsi %get3A_100, %shift_right_arithmetic3A_102 : vector<16xi32>
        %swap3A = arith.index_cast %add3A_99 : i32 to index
        %swap3A_104 = tpu.vector_load %arg13[%swap3A] {strides = array<i32>} : memref<80xi32, #tpu.memory_space<vmem>>, vector<16xi32>,
        tpu.vector_store %arg13[%swap3A], %shift_right_arithmetic3A_103 {strides = array<i32>} : memref<80xi32, #tpu.memory_space<vmem>>, vector<16xi32>,
      }
      %scan3A_66 = arith.constant 5 : i32
      %dma_wait3A_67 = arith.constant 0 : i32
      %dma_wait3A_68 = arith.constant 0 : i32
      %dma_wait3A_69 = tpu.memref_slice %arg4[%dma_wait3A_67, %dma_wait3A_68] : memref<100000x16xf32, #tpu.memory_space<hbm>> -> memref<100000x16xf32, #tpu.memory_space<hbm>>
      tpu.wait_indirect_dma semaphore(%arg22 : memref<!tpu.dma_semaphore, #tpu.memory_space<semaphore_mem>>) src(%dma_wait3A_69 : memref<100000x16xf32, #tpu.memory_space<hbm>>) dst(%arg15 : memref<80x16xf32, #tpu.memory_space<vmem>>)
      %dma_wait3A_70 = arith.constant 0 : i32
      %dma_wait3A_71 = arith.constant 0 : i32
      %dma_wait3A_72 = tpu.memref_slice %arg5[%dma_wait3A_70, %dma_wait3A_71] : memref<100000x16xf32, #tpu.memory_space<hbm>> -> memref<100000x16xf32, #tpu.memory_space<hbm>>
      tpu.wait_indirect_dma semaphore(%arg23 : memref<!tpu.dma_semaphore, #tpu.memory_space<semaphore_mem>>) src(%dma_wait3A_72 : memref<100000x16xf32, #tpu.memory_space<hbm>>) dst(%arg16 : memref<80x16xf32, #tpu.memory_space<vmem>>)
      %scan3A_73 = arith.constant 0 : i32
      %scan3A_74 = arith.constant 80 : i32
      %scan3A_75 = arith.addi %scan3A_73, %scan3A_74 : i32
      %scan3A_76 = arith.constant 1 : i32
      scf.for %scan3A_95 = %scan3A_73 to %scan3A_75 step %scan3A_76  : i32 {
        %mul3A_96 = arith.constant 1 : i32
        %mul3A_97 = arith.muli %scan3A_95, %mul3A_96 : i32
        %add3A_98 = arith.constant 0 : i32
        %add3A_99 = arith.addi %add3A_98, %mul3A_97 : i32
        %swap3A = arith.index_cast %add3A_99 : i32 to index
        %swap3A_100 = arith.constant 0 : index
        %swap3A_101 = tpu.vector_load %arg18[%swap3A, %swap3A_100] {strides = array<i32>} : memref<80x16xf32, #tpu.memory_space<vmem>>, vector<16xf32>,
        tpu.vector_store %arg18[%swap3A, %swap3A_100], %broadcast_in_dim3A_5 {strides = array<i32>} : memref<80x16xf32, #tpu.memory_space<vmem>>, vector<16xf32>,
      }
      %scan3A_77 = arith.constant 80 : i32
      %scan3A_78 = arith.constant 0 : i32
      %scan3A_79 = arith.constant 20 : i32
      %scan3A_80 = arith.addi %scan3A_78, %scan3A_79 : i32
      %scan3A_81 = arith.constant 1 : i32
      scf.for %scan3A_95 = %scan3A_78 to %scan3A_80 step %scan3A_81  : i32 {
        %mul3A_96 = arith.constant 4 : i32
        %mul3A_97 = arith.muli %scan3A_95, %mul3A_96 : i32
        %add3A_98 = arith.constant 0 : i32
        %add3A_99 = arith.addi %add3A_98, %mul3A_97 : i32
        %add3A_100 = vector.broadcast %add3A_99 : i32 to vector<16xi32>
        %add3A_101 = arith.addi %add3A_100, %shift_right_arithmetic3A_2 : vector<16xi32>
        %gather3A = tpu.vector_load_idx %arg15[%add3A_101, %and3A_4] : memref<80x16xf32, #tpu.memory_space<vmem>>[vector<16xi32>, vector<16xi32>], vector<16xf32>,
        %add3A_102 = vector.broadcast %add3A_99 : i32 to vector<16xi32>
        %add3A_103 = arith.addi %add3A_102, %shift_right_arithmetic3A_2 : vector<16xi32>
        %gather3A_104 = tpu.vector_load_idx %arg16[%add3A_103, %and3A_4] : memref<80x16xf32, #tpu.memory_space<vmem>>[vector<16xi32>, vector<16xi32>], vector<16xf32>,
        %add3A_105 = arith.addf %gather3A, %gather3A_104 : vector<16xf32>
        %mul3A_106 = arith.constant 2.000000e-01 : f32
        %mul3A_107 = vector.broadcast %mul3A_106 : f32 to vector<16xf32>
        %mul3A_108 = arith.mulf %mul3A_107, %add3A_105 : vector<16xf32>
        %max3A = arith.maximumf %add3A_105, %mul3A_108 : vector<16xf32>
        %exp3A = math.exp %max3A : vector<16xf32>
        %swap3A = arith.constant 0 : index
        %swap3A_109 = tpu.vector_load %arg19[%swap3A] {strides = array<i32>} : memref<16xf32, #tpu.memory_space<vmem>>, vector<16xf32>,
        tpu.vector_store %arg19[%swap3A], %exp3A {strides = array<i32>} : memref<16xf32, #tpu.memory_space<vmem>>, vector<16xf32>,
        %add3A_110 = vector.broadcast %add3A_99 : i32 to vector<16xi32>
        %add3A_111 = arith.addi %add3A_110, %shift_right_arithmetic3A_2 : vector<16xi32>
        %gather3A_112 = tpu.vector_load_idx %arg11[%add3A_111] : memref<80xi32, #tpu.memory_space<vmem>>[vector<16xi32>], vector<16xi32>,
        %add3A_113 = vector.broadcast %add3A_99 : i32 to vector<16xi32>
        %add3A_114 = arith.addi %add3A_113, %shift_right_arithmetic3A_2 : vector<16xi32>
        %and3A_115 = arith.constant 3 : i32
        %and3A_116 = vector.broadcast %and3A_115 : i32 to vector<16xi32>
        %and3A_117 = arith.andi %gather3A_112, %and3A_116 : vector<16xi32>
        %mul3A_118 = arith.constant 4 : i32
        %mul3A_119 = vector.broadcast %mul3A_118 : i32 to vector<16xi32>
        %mul3A_120 = arith.muli %and3A_117, %mul3A_119 : vector<16xi32>
        %add3A_121 = arith.addi %mul3A_120, %and3A_4 : vector<16xi32>
        tpu.vector_store_idx %arg18[%add3A_114, %add3A_121], %exp3A : memref<80x16xf32, #tpu.memory_space<vmem>>[vector<16xi32>, vector<16xi32>], vector<16xf32>,
        %add3A_122 = arith.constant 0 : i32
        %add3A_123 = vector.broadcast %add3A_122 : i32 to vector<16xi32>
        %add3A_124 = arith.addi %add3A_123, %shift_right_arithmetic3A_2 : vector<16xi32>
        %gather3A_125 = tpu.vector_load_idx %arg19[%add3A_124] : memref<16xf32, #tpu.memory_space<vmem>>[vector<16xi32>], vector<16xf32>,
        %broadcast_in_dim3A_126 = arith.constant 0 : i32
        %broadcast_in_dim3A_127 = vector.broadcast %broadcast_in_dim3A_126 : i32 to vector<16xi32>
        %add3A_128 = arith.constant 0 : i32
        %add3A_129 = arith.addi %add3A_99, %add3A_128 : i32
        %add3A_130 = vector.broadcast %add3A_129 : i32 to vector<16xi32>
        %add3A_131 = arith.addi %broadcast_in_dim3A_127, %add3A_130 : vector<16xi32>
        %add3A_132 = arith.constant 4 : i32
        %add3A_133 = vector.broadcast %add3A_132 : i32 to vector<16xi32>
        %add3A_134 = arith.addi %and3A_4, %add3A_133 : vector<16xi32>
        %gather3A_135 = tpu.vector_load_idx %arg15[%add3A_131, %add3A_134] : memref<80x16xf32, #tpu.memory_space<vmem>>[vector<16xi32>, vector<16xi32>], vector<16xf32>,
        %mul3A_136 = arith.mulf %gather3A_125, %gather3A_135 : vector<16xf32>
        %add3A_137 = arith.constant 0 : i32
        %add3A_138 = arith.addi %add3A_99, %add3A_137 : i32
        %swap3A_139 = arith.index_cast %add3A_138 : i32 to index
        %swap3A_140 = arith.constant 0 : index
        %swap3A_141 = tpu.vector_load %arg17[%swap3A_139, %swap3A_140] {strides = array<i32>} : memref<80x16xf32, #tpu.memory_space<vmem>>, vector<16xf32>,
        tpu.vector_store %arg17[%swap3A_139, %swap3A_140], %mul3A_136 {strides = array<i32>} : memref<80x16xf32, #tpu.memory_space<vmem>>, vector<16xf32>,
        %add3A_142 = arith.constant 4 : i32
        %add3A_143 = vector.broadcast %add3A_142 : i32 to vector<16xi32>
        %add3A_144 = arith.addi %add3A_143, %shift_right_arithmetic3A_2 : vector<16xi32>
        %gather3A_145 = tpu.vector_load_idx %arg19[%add3A_144] : memref<16xf32, #tpu.memory_space<vmem>>[vector<16xi32>], vector<16xf32>,
        %broadcast_in_dim3A_146 = arith.constant 0 : i32
        %broadcast_in_dim3A_147 = vector.broadcast %broadcast_in_dim3A_146 : i32 to vector<16xi32>
        %add3A_148 = arith.constant 1 : i32
        %add3A_149 = arith.addi %add3A_99, %add3A_148 : i32
        %add3A_150 = vector.broadcast %add3A_149 : i32 to vector<16xi32>
        %add3A_151 = arith.addi %broadcast_in_dim3A_147, %add3A_150 : vector<16xi32>
        %add3A_152 = arith.constant 4 : i32
        %add3A_153 = vector.broadcast %add3A_152 : i32 to vector<16xi32>
        %add3A_154 = arith.addi %and3A_4, %add3A_153 : vector<16xi32>
        %gather3A_155 = tpu.vector_load_idx %arg15[%add3A_151, %add3A_154] : memref<80x16xf32, #tpu.memory_space<vmem>>[vector<16xi32>, vector<16xi32>], vector<16xf32>,
        %mul3A_156 = arith.mulf %gather3A_145, %gather3A_155 : vector<16xf32>
        %add3A_157 = arith.constant 1 : i32
        %add3A_158 = arith.addi %add3A_99, %add3A_157 : i32
        %swap3A_159 = arith.index_cast %add3A_158 : i32 to index
        %swap3A_160 = arith.constant 0 : index
        %swap3A_161 = tpu.vector_load %arg17[%swap3A_159, %swap3A_160] {strides = array<i32>} : memref<80x16xf32, #tpu.memory_space<vmem>>, vector<16xf32>,
        tpu.vector_store %arg17[%swap3A_159, %swap3A_160], %mul3A_156 {strides = array<i32>} : memref<80x16xf32, #tpu.memory_space<vmem>>, vector<16xf32>,
        %add3A_162 = arith.constant 8 : i32
        %add3A_163 = vector.broadcast %add3A_162 : i32 to vector<16xi32>
        %add3A_164 = arith.addi %add3A_163, %shift_right_arithmetic3A_2 : vector<16xi32>
        %gather3A_165 = tpu.vector_load_idx %arg19[%add3A_164] : memref<16xf32, #tpu.memory_space<vmem>>[vector<16xi32>], vector<16xf32>,
        %broadcast_in_dim3A_166 = arith.constant 0 : i32
        %broadcast_in_dim3A_167 = vector.broadcast %broadcast_in_dim3A_166 : i32 to vector<16xi32>
        %add3A_168 = arith.constant 2 : i32
        %add3A_169 = arith.addi %add3A_99, %add3A_168 : i32
        %add3A_170 = vector.broadcast %add3A_169 : i32 to vector<16xi32>
        %add3A_171 = arith.addi %broadcast_in_dim3A_167, %add3A_170 : vector<16xi32>
        %add3A_172 = arith.constant 4 : i32
        %add3A_173 = vector.broadcast %add3A_172 : i32 to vector<16xi32>
        %add3A_174 = arith.addi %and3A_4, %add3A_173 : vector<16xi32>
        %gather3A_175 = tpu.vector_load_idx %arg15[%add3A_171, %add3A_174] : memref<80x16xf32, #tpu.memory_space<vmem>>[vector<16xi32>, vector<16xi32>], vector<16xf32>,
        %mul3A_176 = arith.mulf %gather3A_165, %gather3A_175 : vector<16xf32>
        %add3A_177 = arith.constant 2 : i32
        %add3A_178 = arith.addi %add3A_99, %add3A_177 : i32
        %swap3A_179 = arith.index_cast %add3A_178 : i32 to index
        %swap3A_180 = arith.constant 0 : index
        %swap3A_181 = tpu.vector_load %arg17[%swap3A_179, %swap3A_180] {strides = array<i32>} : memref<80x16xf32, #tpu.memory_space<vmem>>, vector<16xf32>,
        tpu.vector_store %arg17[%swap3A_179, %swap3A_180], %mul3A_176 {strides = array<i32>} : memref<80x16xf32, #tpu.memory_space<vmem>>, vector<16xf32>,
        %add3A_182 = arith.constant 12 : i32
        %add3A_183 = vector.broadcast %add3A_182 : i32 to vector<16xi32>
        %add3A_184 = arith.addi %add3A_183, %shift_right_arithmetic3A_2 : vector<16xi32>
        %gather3A_185 = tpu.vector_load_idx %arg19[%add3A_184] : memref<16xf32, #tpu.memory_space<vmem>>[vector<16xi32>], vector<16xf32>,
        %broadcast_in_dim3A_186 = arith.constant 0 : i32
        %broadcast_in_dim3A_187 = vector.broadcast %broadcast_in_dim3A_186 : i32 to vector<16xi32>
        %add3A_188 = arith.constant 3 : i32
        %add3A_189 = arith.addi %add3A_99, %add3A_188 : i32
        %add3A_190 = vector.broadcast %add3A_189 : i32 to vector<16xi32>
        %add3A_191 = arith.addi %broadcast_in_dim3A_187, %add3A_190 : vector<16xi32>
        %add3A_192 = arith.constant 4 : i32
        %add3A_193 = vector.broadcast %add3A_192 : i32 to vector<16xi32>
        %add3A_194 = arith.addi %and3A_4, %add3A_193 : vector<16xi32>
        %gather3A_195 = tpu.vector_load_idx %arg15[%add3A_191, %add3A_194] : memref<80x16xf32, #tpu.memory_space<vmem>>[vector<16xi32>, vector<16xi32>], vector<16xf32>,
        %mul3A_196 = arith.mulf %gather3A_185, %gather3A_195 : vector<16xf32>
        %add3A_197 = arith.constant 3 : i32
        %add3A_198 = arith.addi %add3A_99, %add3A_197 : i32
        %swap3A_199 = arith.index_cast %add3A_198 : i32 to index
        %swap3A_200 = arith.constant 0 : index
        %swap3A_201 = tpu.vector_load %arg17[%swap3A_199, %swap3A_200] {strides = array<i32>} : memref<80x16xf32, #tpu.memory_space<vmem>>, vector<16xf32>,
        tpu.vector_store %arg17[%swap3A_199, %swap3A_200], %mul3A_196 {strides = array<i32>} : memref<80x16xf32, #tpu.memory_space<vmem>>, vector<16xf32>,
      }
      %scan3A_82 = arith.constant 20 : i32
      %dma_start3A_83 = arith.constant 0 : i32
      %dma_start3A_84 = arith.constant 0 : i32
      %dma_start3A_85 = tpu.memref_slice %arg20[%dma_start3A_83, %dma_start3A_84] : memref<100000x16xf32, #tpu.memory_space<vmem_shared>> -> memref<100000x16xf32, #tpu.memory_space<vmem_shared>>
      tpu.enqueue_indirect_dma source(%arg17 : memref<80x16xf32, #tpu.memory_space<vmem>>) target(%dma_start3A_85 : memref<100000x16xf32, #tpu.memory_space<vmem_shared>>) offsets(%arg11 : memref<80xi32, #tpu.memory_space<vmem>>) semaphore(%arg22 : memref<!tpu.dma_semaphore, #tpu.memory_space<semaphore_mem>>) {add = true}
      %dma_start3A_86 = arith.constant 0 : i32
      %dma_start3A_87 = arith.constant 0 : i32
      %dma_start3A_88 = tpu.memref_slice %arg21[%dma_start3A_86, %dma_start3A_87] : memref<25000x16xf32, #tpu.memory_space<vmem_shared>> -> memref<25000x16xf32, #tpu.memory_space<vmem_shared>>
      tpu.enqueue_indirect_dma source(%arg18 : memref<80x16xf32, #tpu.memory_space<vmem>>) target(%dma_start3A_88 : memref<25000x16xf32, #tpu.memory_space<vmem_shared>>) offsets(%arg13 : memref<80xi32, #tpu.memory_space<vmem>>) semaphore(%arg23 : memref<!tpu.dma_semaphore, #tpu.memory_space<semaphore_mem>>) {add = true}
      %dma_wait3A_89 = arith.constant 0 : i32
      %dma_wait3A_90 = arith.constant 0 : i32
      %dma_wait3A_91 = tpu.memref_slice %arg20[%dma_wait3A_89, %dma_wait3A_90] : memref<100000x16xf32, #tpu.memory_space<vmem_shared>> -> memref<100000x16xf32, #tpu.memory_space<vmem_shared>>
      tpu.wait_indirect_dma semaphore(%arg22 : memref<!tpu.dma_semaphore, #tpu.memory_space<semaphore_mem>>) src(%arg17 : memref<80x16xf32, #tpu.memory_space<vmem>>) dst(%dma_wait3A_91 : memref<100000x16xf32, #tpu.memory_space<vmem_shared>>)
      %dma_wait3A_92 = arith.constant 0 : i32
      %dma_wait3A_93 = arith.constant 0 : i32
      %dma_wait3A_94 = tpu.memref_slice %arg21[%dma_wait3A_92, %dma_wait3A_93] : memref<25000x16xf32, #tpu.memory_space<vmem_shared>> -> memref<25000x16xf32, #tpu.memory_space<vmem_shared>>
      tpu.wait_indirect_dma semaphore(%arg23 : memref<!tpu.dma_semaphore, #tpu.memory_space<semaphore_mem>>) src(%arg18 : memref<80x16xf32, #tpu.memory_space<vmem>>) dst(%dma_wait3A_94 : memref<25000x16xf32, #tpu.memory_space<vmem_shared>>)
    }
    %scan3A_31 = arith.constant 2500 : i32
    %barrier3A_32 = arith.constant 0 : index
    tpu.barrier barrier_id(%barrier3A_32)
    %eq3A = arith.constant 0 : i32
    %eq3A_33 = arith.cmpi eq, %arg0, %eq3A : i32
    %convert_element_type3A = arith.extui %eq3A_33 : i1 to i32
    %cond3A = arith.constant 0 : i32
    %cond3A_34 = arith.cmpi ne, %convert_element_type3A, %cond3A : i32
    scf.if %cond3A_34 {
      %mul3A_40 = arith.constant 6250 : i32
      %mul3A_41 = arith.muli %arg1, %mul3A_40 : i32
      %min3A_42 = arith.constant 93750 : i32
      %min3A_43 = arith.minsi %mul3A_41, %min3A_42 : i32
      %scan3A_44 = arith.constant 0 : i32
      %scan3A_45 = arith.constant 79 : i32
      %scan3A_46 = arith.addi %scan3A_44, %scan3A_45 : i32
      %scan3A_47 = arith.constant 1 : i32
      scf.for %scan3A_58 = %scan3A_44 to %scan3A_46 step %scan3A_47  : i32 {
        %mul3A_59 = arith.constant 1 : i32
        %mul3A_60 = arith.muli %scan3A_58, %mul3A_59 : i32
        %add3A_61 = arith.constant 0 : i32
        %add3A_62 = arith.addi %add3A_61, %mul3A_60 : i32
        %mul3A_63 = arith.constant 80 : i32
        %mul3A_64 = arith.muli %add3A_62, %mul3A_63 : i32
        %min3A_65 = arith.constant 6170 : i32
        %min3A_66 = arith.minsi %mul3A_64, %min3A_65 : i32
        %add3A_67 = arith.addi %min3A_43, %min3A_66 : i32
        %add3A_68 = arith.constant 0 : i32
        %add3A_69 = arith.addi %add3A_67, %add3A_68 : i32
        %add3A_70 = vector.broadcast %add3A_69 : i32 to vector<16xi32>
        %add3A_71 = arith.addi %iota3A, %add3A_70 : vector<16xi32>
        %swap3A = arith.constant 0 : index
        %swap3A_72 = tpu.vector_load %arg14[%swap3A] {strides = array<i32>} : memref<80xi32, #tpu.memory_space<vmem>>, vector<16xi32>,
        tpu.vector_store %arg14[%swap3A], %add3A_71 {strides = array<i32>} : memref<80xi32, #tpu.memory_space<vmem>>, vector<16xi32>,
        %add3A_73 = arith.constant 16 : i32
        %add3A_74 = arith.addi %add3A_67, %add3A_73 : i32
        %add3A_75 = vector.broadcast %add3A_74 : i32 to vector<16xi32>
        %add3A_76 = arith.addi %iota3A, %add3A_75 : vector<16xi32>
        %swap3A_77 = arith.constant 16 : index
        %swap3A_78 = tpu.vector_load %arg14[%swap3A_77] {strides = array<i32>} : memref<80xi32, #tpu.memory_space<vmem>>, vector<16xi32>,
        tpu.vector_store %arg14[%swap3A_77], %add3A_76 {strides = array<i32>} : memref<80xi32, #tpu.memory_space<vmem>>, vector<16xi32>,
        %add3A_79 = arith.constant 32 : i32
        %add3A_80 = arith.addi %add3A_67, %add3A_79 : i32
        %add3A_81 = vector.broadcast %add3A_80 : i32 to vector<16xi32>
        %add3A_82 = arith.addi %iota3A, %add3A_81 : vector<16xi32>
        %swap3A_83 = arith.constant 32 : index
        %swap3A_84 = tpu.vector_load %arg14[%swap3A_83] {strides = array<i32>} : memref<80xi32, #tpu.memory_space<vmem>>, vector<16xi32>,
        tpu.vector_store %arg14[%swap3A_83], %add3A_82 {strides = array<i32>} : memref<80xi32, #tpu.memory_space<vmem>>, vector<16xi32>,
        %add3A_85 = arith.constant 48 : i32
        %add3A_86 = arith.addi %add3A_67, %add3A_85 : i32
        %add3A_87 = vector.broadcast %add3A_86 : i32 to vector<16xi32>
        %add3A_88 = arith.addi %iota3A, %add3A_87 : vector<16xi32>
        %swap3A_89 = arith.constant 48 : index
        %swap3A_90 = tpu.vector_load %arg14[%swap3A_89] {strides = array<i32>} : memref<80xi32, #tpu.memory_space<vmem>>, vector<16xi32>,
        tpu.vector_store %arg14[%swap3A_89], %add3A_88 {strides = array<i32>} : memref<80xi32, #tpu.memory_space<vmem>>, vector<16xi32>,
        %add3A_91 = arith.constant 64 : i32
        %add3A_92 = arith.addi %add3A_67, %add3A_91 : i32
        %add3A_93 = vector.broadcast %add3A_92 : i32 to vector<16xi32>
        %add3A_94 = arith.addi %iota3A, %add3A_93 : vector<16xi32>
        %swap3A_95 = arith.constant 64 : index
        %swap3A_96 = tpu.vector_load %arg14[%swap3A_95] {strides = array<i32>} : memref<80xi32, #tpu.memory_space<vmem>>, vector<16xi32>,
        tpu.vector_store %arg14[%swap3A_95], %add3A_94 {strides = array<i32>} : memref<80xi32, #tpu.memory_space<vmem>>, vector<16xi32>,
        "tpu.region"() ({
          %run_scoped3A = tpu.sem_alloc : memref<!tpu.dma_semaphore, #tpu.memory_space<semaphore_mem>>
          %dma_start3A = arith.constant 0 : i32
          %dma_start3A_97 = arith.constant 0 : i32
          %dma_start3A_98 = tpu.memref_slice %arg20[%dma_start3A, %dma_start3A_97] : memref<100000x16xf32, #tpu.memory_space<vmem_shared>> -> memref<100000x16xf32, #tpu.memory_space<vmem_shared>>
          tpu.enqueue_indirect_dma source(%dma_start3A_98 : memref<100000x16xf32, #tpu.memory_space<vmem_shared>>) target(%arg17 : memref<80x16xf32, #tpu.memory_space<vmem>>) offsets(%arg14 : memref<80xi32, #tpu.memory_space<vmem>>) semaphore(%run_scoped3A : memref<!tpu.dma_semaphore, #tpu.memory_space<semaphore_mem>>)
          %dma_wait3A = arith.constant 0 : i32
          %dma_wait3A_99 = arith.constant 0 : i32
          %dma_wait3A_100 = tpu.memref_slice %arg20[%dma_wait3A, %dma_wait3A_99] : memref<100000x16xf32, #tpu.memory_space<vmem_shared>> -> memref<100000x16xf32, #tpu.memory_space<vmem_shared>>
          tpu.wait_indirect_dma semaphore(%run_scoped3A : memref<!tpu.dma_semaphore, #tpu.memory_space<semaphore_mem>>) src(%dma_wait3A_100 : memref<100000x16xf32, #tpu.memory_space<vmem_shared>>) dst(%arg17 : memref<80x16xf32, #tpu.memory_space<vmem>>)
          tpu.yield
        }) : () -> ()
        "tpu.region"() ({
          %run_scoped3A = tpu.sem_alloc : memref<!tpu.dma_semaphore, #tpu.memory_space<semaphore_mem>>
          %dma_start3A = arith.constant 0 : i32
          %dma_start3A_97 = arith.constant 0 : i32
          %dma_start3A_98 = tpu.memref_slice %arg6[%dma_start3A, %dma_start3A_97] : memref<100000x16xf32, #tpu.memory_space<hbm>> -> memref<100000x16xf32, #tpu.memory_space<hbm>>
          tpu.enqueue_indirect_dma source(%arg17 : memref<80x16xf32, #tpu.memory_space<vmem>>) target(%dma_start3A_98 : memref<100000x16xf32, #tpu.memory_space<hbm>>) offsets(%arg14 : memref<80xi32, #tpu.memory_space<vmem>>) semaphore(%run_scoped3A : memref<!tpu.dma_semaphore, #tpu.memory_space<semaphore_mem>>)
          %dma_wait3A = arith.constant 0 : i32
          %dma_wait3A_99 = arith.constant 0 : i32
          %dma_wait3A_100 = tpu.memref_slice %arg6[%dma_wait3A, %dma_wait3A_99] : memref<100000x16xf32, #tpu.memory_space<hbm>> -> memref<100000x16xf32, #tpu.memory_space<hbm>>
          tpu.wait_indirect_dma semaphore(%run_scoped3A : memref<!tpu.dma_semaphore, #tpu.memory_space<semaphore_mem>>) src(%arg17 : memref<80x16xf32, #tpu.memory_space<vmem>>) dst(%dma_wait3A_100 : memref<100000x16xf32, #tpu.memory_space<hbm>>)
          tpu.yield
        }) : () -> ()
      }
      %scan3A_48 = arith.constant 79 : i32
      %mul3A_49 = arith.constant 1563 : i32
      %mul3A_50 = arith.muli %arg1, %mul3A_49 : i32
      %min3A_51 = arith.constant 23437 : i32
      %min3A_52 = arith.minsi %mul3A_50, %min3A_51 : i32
      %scan3A_53 = arith.constant 0 : i32
      %scan3A_54 = arith.constant 20 : i32
      %scan3A_55 = arith.addi %scan3A_53, %scan3A_54 : i32
      %scan3A_56 = arith.constant 1 : i32
      scf.for %scan3A_58 = %scan3A_53 to %scan3A_55 step %scan3A_56  : i32 {
        %mul3A_59 = arith.constant 1 : i32
        %mul3A_60 = arith.muli %scan3A_58, %mul3A_59 : i32
        %add3A_61 = arith.constant 0 : i32
        %add3A_62 = arith.addi %add3A_61, %mul3A_60 : i32
        %mul3A_63 = arith.constant 80 : i32
        %mul3A_64 = arith.muli %add3A_62, %mul3A_63 : i32
        %min3A_65 = arith.constant 1483 : i32
        %min3A_66 = arith.minsi %mul3A_64, %min3A_65 : i32
        %add3A_67 = arith.addi %min3A_52, %min3A_66 : i32
        %add3A_68 = arith.constant 0 : i32
        %add3A_69 = arith.addi %add3A_67, %add3A_68 : i32
        %add3A_70 = vector.broadcast %add3A_69 : i32 to vector<16xi32>
        %add3A_71 = arith.addi %iota3A, %add3A_70 : vector<16xi32>
        %swap3A = arith.constant 0 : index
        %swap3A_72 = tpu.vector_load %arg14[%swap3A] {strides = array<i32>} : memref<80xi32, #tpu.memory_space<vmem>>, vector<16xi32>,
        tpu.vector_store %arg14[%swap3A], %add3A_71 {strides = array<i32>} : memref<80xi32, #tpu.memory_space<vmem>>, vector<16xi32>,
        %add3A_73 = arith.constant 16 : i32
        %add3A_74 = arith.addi %add3A_67, %add3A_73 : i32
        %add3A_75 = vector.broadcast %add3A_74 : i32 to vector<16xi32>
        %add3A_76 = arith.addi %iota3A, %add3A_75 : vector<16xi32>
        %swap3A_77 = arith.constant 16 : index
        %swap3A_78 = tpu.vector_load %arg14[%swap3A_77] {strides = array<i32>} : memref<80xi32, #tpu.memory_space<vmem>>, vector<16xi32>,
        tpu.vector_store %arg14[%swap3A_77], %add3A_76 {strides = array<i32>} : memref<80xi32, #tpu.memory_space<vmem>>, vector<16xi32>,
        %add3A_79 = arith.constant 32 : i32
        %add3A_80 = arith.addi %add3A_67, %add3A_79 : i32
        %add3A_81 = vector.broadcast %add3A_80 : i32 to vector<16xi32>
        %add3A_82 = arith.addi %iota3A, %add3A_81 : vector<16xi32>
        %swap3A_83 = arith.constant 32 : index
        %swap3A_84 = tpu.vector_load %arg14[%swap3A_83] {strides = array<i32>} : memref<80xi32, #tpu.memory_space<vmem>>, vector<16xi32>,
        tpu.vector_store %arg14[%swap3A_83], %add3A_82 {strides = array<i32>} : memref<80xi32, #tpu.memory_space<vmem>>, vector<16xi32>,
        %add3A_85 = arith.constant 48 : i32
        %add3A_86 = arith.addi %add3A_67, %add3A_85 : i32
        %add3A_87 = vector.broadcast %add3A_86 : i32 to vector<16xi32>
        %add3A_88 = arith.addi %iota3A, %add3A_87 : vector<16xi32>
        %swap3A_89 = arith.constant 48 : index
        %swap3A_90 = tpu.vector_load %arg14[%swap3A_89] {strides = array<i32>} : memref<80xi32, #tpu.memory_space<vmem>>, vector<16xi32>,
        tpu.vector_store %arg14[%swap3A_89], %add3A_88 {strides = array<i32>} : memref<80xi32, #tpu.memory_space<vmem>>, vector<16xi32>,
        %add3A_91 = arith.constant 64 : i32
        %add3A_92 = arith.addi %add3A_67, %add3A_91 : i32
        %add3A_93 = vector.broadcast %add3A_92 : i32 to vector<16xi32>
        %add3A_94 = arith.addi %iota3A, %add3A_93 : vector<16xi32>
        %swap3A_95 = arith.constant 64 : index
        %swap3A_96 = tpu.vector_load %arg14[%swap3A_95] {strides = array<i32>} : memref<80xi32, #tpu.memory_space<vmem>>, vector<16xi32>,
        tpu.vector_store %arg14[%swap3A_95], %add3A_94 {strides = array<i32>} : memref<80xi32, #tpu.memory_space<vmem>>, vector<16xi32>,
        "tpu.region"() ({
          %run_scoped3A = tpu.sem_alloc : memref<!tpu.dma_semaphore, #tpu.memory_space<semaphore_mem>>
          %dma_start3A = arith.constant 0 : i32
          %dma_start3A_97 = arith.constant 0 : i32
          %dma_start3A_98 = tpu.memref_slice %arg21[%dma_start3A, %dma_start3A_97] : memref<25000x16xf32, #tpu.memory_space<vmem_shared>> -> memref<25000x16xf32, #tpu.memory_space<vmem_shared>>
          tpu.enqueue_indirect_dma source(%dma_start3A_98 : memref<25000x16xf32, #tpu.memory_space<vmem_shared>>) target(%arg17 : memref<80x16xf32, #tpu.memory_space<vmem>>) offsets(%arg14 : memref<80xi32, #tpu.memory_space<vmem>>) semaphore(%run_scoped3A : memref<!tpu.dma_semaphore, #tpu.memory_space<semaphore_mem>>)
          %dma_wait3A = arith.constant 0 : i32
          %dma_wait3A_99 = arith.constant 0 : i32
          %dma_wait3A_100 = tpu.memref_slice %arg21[%dma_wait3A, %dma_wait3A_99] : memref<25000x16xf32, #tpu.memory_space<vmem_shared>> -> memref<25000x16xf32, #tpu.memory_space<vmem_shared>>
          tpu.wait_indirect_dma semaphore(%run_scoped3A : memref<!tpu.dma_semaphore, #tpu.memory_space<semaphore_mem>>) src(%dma_wait3A_100 : memref<25000x16xf32, #tpu.memory_space<vmem_shared>>) dst(%arg17 : memref<80x16xf32, #tpu.memory_space<vmem>>)
          tpu.yield
        }) : () -> ()
        "tpu.region"() ({
          %run_scoped3A = tpu.sem_alloc : memref<!tpu.dma_semaphore, #tpu.memory_space<semaphore_mem>>
          %dma_start3A = arith.constant 0 : i32
          %dma_start3A_97 = arith.constant 0 : i32
          %dma_start3A_98 = tpu.memref_slice %arg8[%dma_start3A, %dma_start3A_97] : memref<25000x16xf32, #tpu.memory_space<hbm>> -> memref<25000x16xf32, #tpu.memory_space<hbm>>
          tpu.enqueue_indirect_dma source(%arg17 : memref<80x16xf32, #tpu.memory_space<vmem>>) target(%dma_start3A_98 : memref<25000x16xf32, #tpu.memory_space<hbm>>) offsets(%arg14 : memref<80xi32, #tpu.memory_space<vmem>>) semaphore(%run_scoped3A : memref<!tpu.dma_semaphore, #tpu.memory_space<semaphore_mem>>)
          %dma_wait3A = arith.constant 0 : i32
          %dma_wait3A_99 = arith.constant 0 : i32
          %dma_wait3A_100 = tpu.memref_slice %arg8[%dma_wait3A, %dma_wait3A_99] : memref<25000x16xf32, #tpu.memory_space<hbm>> -> memref<25000x16xf32, #tpu.memory_space<hbm>>
          tpu.wait_indirect_dma semaphore(%run_scoped3A : memref<!tpu.dma_semaphore, #tpu.memory_space<semaphore_mem>>) src(%arg17 : memref<80x16xf32, #tpu.memory_space<vmem>>) dst(%dma_wait3A_100 : memref<25000x16xf32, #tpu.memory_space<hbm>>)
          tpu.yield
        }) : () -> ()
      }
      %scan3A_57 = arith.constant 20 : i32
    } else {
    }
    %eq3A_35 = arith.constant 1 : i32
    %eq3A_36 = arith.cmpi eq, %arg0, %eq3A_35 : i32
    %convert_element_type3A_37 = arith.extui %eq3A_36 : i1 to i32
    %cond3A_38 = arith.constant 0 : i32
    %cond3A_39 = arith.cmpi ne, %convert_element_type3A_37, %cond3A_38 : i32
    scf.if %cond3A_39 {
      %mul3A_40 = arith.constant 6250 : i32
      %mul3A_41 = arith.muli %arg1, %mul3A_40 : i32
      %min3A_42 = arith.constant 93750 : i32
      %min3A_43 = arith.minsi %mul3A_41, %min3A_42 : i32
      %scan3A_44 = arith.constant 0 : i32
      %scan3A_45 = arith.constant 79 : i32
      %scan3A_46 = arith.addi %scan3A_44, %scan3A_45 : i32
      %scan3A_47 = arith.constant 1 : i32
      scf.for %scan3A_58 = %scan3A_44 to %scan3A_46 step %scan3A_47  : i32 {
        %mul3A_59 = arith.constant 1 : i32
        %mul3A_60 = arith.muli %scan3A_58, %mul3A_59 : i32
        %add3A_61 = arith.constant 0 : i32
        %add3A_62 = arith.addi %add3A_61, %mul3A_60 : i32
        %mul3A_63 = arith.constant 80 : i32
        %mul3A_64 = arith.muli %add3A_62, %mul3A_63 : i32
        %min3A_65 = arith.constant 6170 : i32
        %min3A_66 = arith.minsi %mul3A_64, %min3A_65 : i32
        %add3A_67 = arith.addi %min3A_43, %min3A_66 : i32
        %add3A_68 = arith.constant 0 : i32
        %add3A_69 = arith.addi %add3A_67, %add3A_68 : i32
        %add3A_70 = vector.broadcast %add3A_69 : i32 to vector<16xi32>
        %add3A_71 = arith.addi %iota3A, %add3A_70 : vector<16xi32>
        %swap3A = arith.constant 0 : index
        %swap3A_72 = tpu.vector_load %arg14[%swap3A] {strides = array<i32>} : memref<80xi32, #tpu.memory_space<vmem>>, vector<16xi32>,
        tpu.vector_store %arg14[%swap3A], %add3A_71 {strides = array<i32>} : memref<80xi32, #tpu.memory_space<vmem>>, vector<16xi32>,
        %add3A_73 = arith.constant 16 : i32
        %add3A_74 = arith.addi %add3A_67, %add3A_73 : i32
        %add3A_75 = vector.broadcast %add3A_74 : i32 to vector<16xi32>
        %add3A_76 = arith.addi %iota3A, %add3A_75 : vector<16xi32>
        %swap3A_77 = arith.constant 16 : index
        %swap3A_78 = tpu.vector_load %arg14[%swap3A_77] {strides = array<i32>} : memref<80xi32, #tpu.memory_space<vmem>>, vector<16xi32>,
        tpu.vector_store %arg14[%swap3A_77], %add3A_76 {strides = array<i32>} : memref<80xi32, #tpu.memory_space<vmem>>, vector<16xi32>,
        %add3A_79 = arith.constant 32 : i32
        %add3A_80 = arith.addi %add3A_67, %add3A_79 : i32
        %add3A_81 = vector.broadcast %add3A_80 : i32 to vector<16xi32>
        %add3A_82 = arith.addi %iota3A, %add3A_81 : vector<16xi32>
        %swap3A_83 = arith.constant 32 : index
        %swap3A_84 = tpu.vector_load %arg14[%swap3A_83] {strides = array<i32>} : memref<80xi32, #tpu.memory_space<vmem>>, vector<16xi32>,
        tpu.vector_store %arg14[%swap3A_83], %add3A_82 {strides = array<i32>} : memref<80xi32, #tpu.memory_space<vmem>>, vector<16xi32>,
        %add3A_85 = arith.constant 48 : i32
        %add3A_86 = arith.addi %add3A_67, %add3A_85 : i32
        %add3A_87 = vector.broadcast %add3A_86 : i32 to vector<16xi32>
        %add3A_88 = arith.addi %iota3A, %add3A_87 : vector<16xi32>
        %swap3A_89 = arith.constant 48 : index
        %swap3A_90 = tpu.vector_load %arg14[%swap3A_89] {strides = array<i32>} : memref<80xi32, #tpu.memory_space<vmem>>, vector<16xi32>,
        tpu.vector_store %arg14[%swap3A_89], %add3A_88 {strides = array<i32>} : memref<80xi32, #tpu.memory_space<vmem>>, vector<16xi32>,
        %add3A_91 = arith.constant 64 : i32
        %add3A_92 = arith.addi %add3A_67, %add3A_91 : i32
        %add3A_93 = vector.broadcast %add3A_92 : i32 to vector<16xi32>
        %add3A_94 = arith.addi %iota3A, %add3A_93 : vector<16xi32>
        %swap3A_95 = arith.constant 64 : index
        %swap3A_96 = tpu.vector_load %arg14[%swap3A_95] {strides = array<i32>} : memref<80xi32, #tpu.memory_space<vmem>>, vector<16xi32>,
        tpu.vector_store %arg14[%swap3A_95], %add3A_94 {strides = array<i32>} : memref<80xi32, #tpu.memory_space<vmem>>, vector<16xi32>,
        "tpu.region"() ({
          %run_scoped3A = tpu.sem_alloc : memref<!tpu.dma_semaphore, #tpu.memory_space<semaphore_mem>>
          %dma_start3A = arith.constant 0 : i32
          %dma_start3A_97 = arith.constant 0 : i32
          %dma_start3A_98 = tpu.memref_slice %arg20[%dma_start3A, %dma_start3A_97] : memref<100000x16xf32, #tpu.memory_space<vmem_shared>> -> memref<100000x16xf32, #tpu.memory_space<vmem_shared>>
          tpu.enqueue_indirect_dma source(%dma_start3A_98 : memref<100000x16xf32, #tpu.memory_space<vmem_shared>>) target(%arg17 : memref<80x16xf32, #tpu.memory_space<vmem>>) offsets(%arg14 : memref<80xi32, #tpu.memory_space<vmem>>) semaphore(%run_scoped3A : memref<!tpu.dma_semaphore, #tpu.memory_space<semaphore_mem>>)
          %dma_wait3A = arith.constant 0 : i32
          %dma_wait3A_99 = arith.constant 0 : i32
          %dma_wait3A_100 = tpu.memref_slice %arg20[%dma_wait3A, %dma_wait3A_99] : memref<100000x16xf32, #tpu.memory_space<vmem_shared>> -> memref<100000x16xf32, #tpu.memory_space<vmem_shared>>
          tpu.wait_indirect_dma semaphore(%run_scoped3A : memref<!tpu.dma_semaphore, #tpu.memory_space<semaphore_mem>>) src(%dma_wait3A_100 : memref<100000x16xf32, #tpu.memory_space<vmem_shared>>) dst(%arg17 : memref<80x16xf32, #tpu.memory_space<vmem>>)
          tpu.yield
        }) : () -> ()
        "tpu.region"() ({
          %run_scoped3A = tpu.sem_alloc : memref<!tpu.dma_semaphore, #tpu.memory_space<semaphore_mem>>
          %dma_start3A = arith.constant 0 : i32
          %dma_start3A_97 = arith.constant 0 : i32
          %dma_start3A_98 = tpu.memref_slice %arg7[%dma_start3A, %dma_start3A_97] : memref<100000x16xf32, #tpu.memory_space<hbm>> -> memref<100000x16xf32, #tpu.memory_space<hbm>>
          tpu.enqueue_indirect_dma source(%arg17 : memref<80x16xf32, #tpu.memory_space<vmem>>) target(%dma_start3A_98 : memref<100000x16xf32, #tpu.memory_space<hbm>>) offsets(%arg14 : memref<80xi32, #tpu.memory_space<vmem>>) semaphore(%run_scoped3A : memref<!tpu.dma_semaphore, #tpu.memory_space<semaphore_mem>>)
          %dma_wait3A = arith.constant 0 : i32
          %dma_wait3A_99 = arith.constant 0 : i32
          %dma_wait3A_100 = tpu.memref_slice %arg7[%dma_wait3A, %dma_wait3A_99] : memref<100000x16xf32, #tpu.memory_space<hbm>> -> memref<100000x16xf32, #tpu.memory_space<hbm>>
          tpu.wait_indirect_dma semaphore(%run_scoped3A : memref<!tpu.dma_semaphore, #tpu.memory_space<semaphore_mem>>) src(%arg17 : memref<80x16xf32, #tpu.memory_space<vmem>>) dst(%dma_wait3A_100 : memref<100000x16xf32, #tpu.memory_space<hbm>>)
          tpu.yield
        }) : () -> ()
      }
      %scan3A_48 = arith.constant 79 : i32
      %mul3A_49 = arith.constant 1563 : i32
      %mul3A_50 = arith.muli %arg1, %mul3A_49 : i32
      %min3A_51 = arith.constant 23437 : i32
      %min3A_52 = arith.minsi %mul3A_50, %min3A_51 : i32
      %scan3A_53 = arith.constant 0 : i32
      %scan3A_54 = arith.constant 20 : i32
      %scan3A_55 = arith.addi %scan3A_53, %scan3A_54 : i32
      %scan3A_56 = arith.constant 1 : i32
      scf.for %scan3A_58 = %scan3A_53 to %scan3A_55 step %scan3A_56  : i32 {
        %mul3A_59 = arith.constant 1 : i32
        %mul3A_60 = arith.muli %scan3A_58, %mul3A_59 : i32
        %add3A_61 = arith.constant 0 : i32
        %add3A_62 = arith.addi %add3A_61, %mul3A_60 : i32
        %mul3A_63 = arith.constant 80 : i32
        %mul3A_64 = arith.muli %add3A_62, %mul3A_63 : i32
        %min3A_65 = arith.constant 1483 : i32
        %min3A_66 = arith.minsi %mul3A_64, %min3A_65 : i32
        %add3A_67 = arith.addi %min3A_52, %min3A_66 : i32
        %add3A_68 = arith.constant 0 : i32
        %add3A_69 = arith.addi %add3A_67, %add3A_68 : i32
        %add3A_70 = vector.broadcast %add3A_69 : i32 to vector<16xi32>
        %add3A_71 = arith.addi %iota3A, %add3A_70 : vector<16xi32>
        %swap3A = arith.constant 0 : index
        %swap3A_72 = tpu.vector_load %arg14[%swap3A] {strides = array<i32>} : memref<80xi32, #tpu.memory_space<vmem>>, vector<16xi32>,
        tpu.vector_store %arg14[%swap3A], %add3A_71 {strides = array<i32>} : memref<80xi32, #tpu.memory_space<vmem>>, vector<16xi32>,
        %add3A_73 = arith.constant 16 : i32
        %add3A_74 = arith.addi %add3A_67, %add3A_73 : i32
        %add3A_75 = vector.broadcast %add3A_74 : i32 to vector<16xi32>
        %add3A_76 = arith.addi %iota3A, %add3A_75 : vector<16xi32>
        %swap3A_77 = arith.constant 16 : index
        %swap3A_78 = tpu.vector_load %arg14[%swap3A_77] {strides = array<i32>} : memref<80xi32, #tpu.memory_space<vmem>>, vector<16xi32>,
        tpu.vector_store %arg14[%swap3A_77], %add3A_76 {strides = array<i32>} : memref<80xi32, #tpu.memory_space<vmem>>, vector<16xi32>,
        %add3A_79 = arith.constant 32 : i32
        %add3A_80 = arith.addi %add3A_67, %add3A_79 : i32
        %add3A_81 = vector.broadcast %add3A_80 : i32 to vector<16xi32>
        %add3A_82 = arith.addi %iota3A, %add3A_81 : vector<16xi32>
        %swap3A_83 = arith.constant 32 : index
        %swap3A_84 = tpu.vector_load %arg14[%swap3A_83] {strides = array<i32>} : memref<80xi32, #tpu.memory_space<vmem>>, vector<16xi32>,
        tpu.vector_store %arg14[%swap3A_83], %add3A_82 {strides = array<i32>} : memref<80xi32, #tpu.memory_space<vmem>>, vector<16xi32>,
        %add3A_85 = arith.constant 48 : i32
        %add3A_86 = arith.addi %add3A_67, %add3A_85 : i32
        %add3A_87 = vector.broadcast %add3A_86 : i32 to vector<16xi32>
        %add3A_88 = arith.addi %iota3A, %add3A_87 : vector<16xi32>
        %swap3A_89 = arith.constant 48 : index
        %swap3A_90 = tpu.vector_load %arg14[%swap3A_89] {strides = array<i32>} : memref<80xi32, #tpu.memory_space<vmem>>, vector<16xi32>,
        tpu.vector_store %arg14[%swap3A_89], %add3A_88 {strides = array<i32>} : memref<80xi32, #tpu.memory_space<vmem>>, vector<16xi32>,
        %add3A_91 = arith.constant 64 : i32
        %add3A_92 = arith.addi %add3A_67, %add3A_91 : i32
        %add3A_93 = vector.broadcast %add3A_92 : i32 to vector<16xi32>
        %add3A_94 = arith.addi %iota3A, %add3A_93 : vector<16xi32>
        %swap3A_95 = arith.constant 64 : index
        %swap3A_96 = tpu.vector_load %arg14[%swap3A_95] {strides = array<i32>} : memref<80xi32, #tpu.memory_space<vmem>>, vector<16xi32>,
        tpu.vector_store %arg14[%swap3A_95], %add3A_94 {strides = array<i32>} : memref<80xi32, #tpu.memory_space<vmem>>, vector<16xi32>,
        "tpu.region"() ({
          %run_scoped3A = tpu.sem_alloc : memref<!tpu.dma_semaphore, #tpu.memory_space<semaphore_mem>>
          %dma_start3A = arith.constant 0 : i32
          %dma_start3A_97 = arith.constant 0 : i32
          %dma_start3A_98 = tpu.memref_slice %arg21[%dma_start3A, %dma_start3A_97] : memref<25000x16xf32, #tpu.memory_space<vmem_shared>> -> memref<25000x16xf32, #tpu.memory_space<vmem_shared>>
          tpu.enqueue_indirect_dma source(%dma_start3A_98 : memref<25000x16xf32, #tpu.memory_space<vmem_shared>>) target(%arg17 : memref<80x16xf32, #tpu.memory_space<vmem>>) offsets(%arg14 : memref<80xi32, #tpu.memory_space<vmem>>) semaphore(%run_scoped3A : memref<!tpu.dma_semaphore, #tpu.memory_space<semaphore_mem>>)
          %dma_wait3A = arith.constant 0 : i32
          %dma_wait3A_99 = arith.constant 0 : i32
          %dma_wait3A_100 = tpu.memref_slice %arg21[%dma_wait3A, %dma_wait3A_99] : memref<25000x16xf32, #tpu.memory_space<vmem_shared>> -> memref<25000x16xf32, #tpu.memory_space<vmem_shared>>
          tpu.wait_indirect_dma semaphore(%run_scoped3A : memref<!tpu.dma_semaphore, #tpu.memory_space<semaphore_mem>>) src(%dma_wait3A_100 : memref<25000x16xf32, #tpu.memory_space<vmem_shared>>) dst(%arg17 : memref<80x16xf32, #tpu.memory_space<vmem>>)
          tpu.yield
        }) : () -> ()
        "tpu.region"() ({
          %run_scoped3A = tpu.sem_alloc : memref<!tpu.dma_semaphore, #tpu.memory_space<semaphore_mem>>
          %dma_start3A = arith.constant 0 : i32
          %dma_start3A_97 = arith.constant 0 : i32
          %dma_start3A_98 = tpu.memref_slice %arg9[%dma_start3A, %dma_start3A_97] : memref<25000x16xf32, #tpu.memory_space<hbm>> -> memref<25000x16xf32, #tpu.memory_space<hbm>>
          tpu.enqueue_indirect_dma source(%arg17 : memref<80x16xf32, #tpu.memory_space<vmem>>) target(%dma_start3A_98 : memref<25000x16xf32, #tpu.memory_space<hbm>>) offsets(%arg14 : memref<80xi32, #tpu.memory_space<vmem>>) semaphore(%run_scoped3A : memref<!tpu.dma_semaphore, #tpu.memory_space<semaphore_mem>>)
          %dma_wait3A = arith.constant 0 : i32
          %dma_wait3A_99 = arith.constant 0 : i32
          %dma_wait3A_100 = tpu.memref_slice %arg9[%dma_wait3A, %dma_wait3A_99] : memref<25000x16xf32, #tpu.memory_space<hbm>> -> memref<25000x16xf32, #tpu.memory_space<hbm>>
          tpu.wait_indirect_dma semaphore(%run_scoped3A : memref<!tpu.dma_semaphore, #tpu.memory_space<semaphore_mem>>) src(%arg17 : memref<80x16xf32, #tpu.memory_space<vmem>>) dst(%dma_wait3A_100 : memref<25000x16xf32, #tpu.memory_space<hbm>>)
          tpu.yield
        }) : () -> ()
      }
      %scan3A_57 = arith.constant 20 : i32
    } else {
    }
    return
  }
}

#map = affine_map<(d0, d1) -> (0)>
#map1 = affine_map<(d0, d1) -> (0, 0)>
module attributes {stable_mosaic.version = 14 : i64} {
  func.func @edge_kernel(%arg0: i32, %arg1: i32, %arg2: memref<6400000xi32, #tpu.memory_space<hbm>>, %arg3: memref<6400000xi32, #tpu.memory_space<hbm>>, %arg4: memref<100000x16xf32, #tpu.memory_space<hbm>>, %arg5: memref<100000x16xf32, #tpu.memory_space<hbm>>, %arg6: memref<50000x16xf32, #tpu.memory_space<hbm>>, %arg7: memref<50000x16xf32, #tpu.memory_space<hbm>>, %arg8: memref<25000x16xf32, #tpu.memory_space<hbm>>, %arg9: memref<25000x16xf32, #tpu.memory_space<hbm>>, %arg10: memref<80xi32, #tpu.memory_space<vmem>>, %arg11: memref<80xi32, #tpu.memory_space<vmem>>, %arg12: memref<80xi32, #tpu.memory_space<vmem>>, %arg13: memref<80xi32, #tpu.memory_space<vmem>>, %arg14: memref<80xi32, #tpu.memory_space<vmem>>, %arg15: memref<80x16xf32, #tpu.memory_space<vmem>>, %arg16: memref<80x16xf32, #tpu.memory_space<vmem>>, %arg17: memref<80x16xf32, #tpu.memory_space<vmem>>, %arg18: memref<80x16xf32, #tpu.memory_space<vmem>>, %arg19: memref<16xf32, #tpu.memory_space<vmem>>, %arg20: memref<50000x16xf32, #tpu.memory_space<vmem_shared>>, %arg21: memref<25000x16xf32, #tpu.memory_space<vmem_shared>>, %arg22: memref<!tpu.dma_semaphore, #tpu.memory_space<semaphore_mem>>, %arg23: memref<!tpu.dma_semaphore, #tpu.memory_space<semaphore_mem>>) attributes {dimension_semantics = [#tpu.dimension_semantics<core_parallel>, #tpu.dimension_semantics<subcore_parallel>], iteration_bounds = array<i64: 2, 16>, scalar_prefetch = 0 : i64, scratch_operands = 14 : i64, tpu.core_type = #tpu.core_type<sc_vector_subcore>, window_params = [{transform_indices = #map}, {transform_indices = #map}, {transform_indices = #map1}, {transform_indices = #map1}, {transform_indices = #map1}, {transform_indices = #map1}, {transform_indices = #map1}, {transform_indices = #map1}]} {
    %mul3A = arith.constant 16 : i32
    %mul3A_0 = arith.muli %arg0, %mul3A : i32
    %add3A = arith.addi %mul3A_0, %arg1 : i32
    %iota3A = tpu.iota {dimensions = array<i32: 0>} : vector<16xi32>
    %shift_right_arithmetic3A = arith.constant 2 : i32
    %shift_right_arithmetic3A_1 = vector.broadcast %shift_right_arithmetic3A : i32 to vector<16xi32>
    %shift_right_arithmetic3A_2 = arith.shrsi %iota3A, %shift_right_arithmetic3A_1 : vector<16xi32>
    %and3A = arith.constant 3 : i32
    %and3A_3 = vector.broadcast %and3A : i32 to vector<16xi32>
    %and3A_4 = arith.andi %iota3A, %and3A_3 : vector<16xi32>
    %broadcast_in_dim3A = arith.constant 0.000000e+00 : f32
    %broadcast_in_dim3A_5 = vector.broadcast %broadcast_in_dim3A : f32 to vector<16xf32>
    %scan3A = arith.constant 0 : i32
    %scan3A_6 = arith.constant 80 : i32
    %scan3A_7 = arith.addi %scan3A, %scan3A_6 : i32
    %scan3A_8 = arith.constant 1 : i32
    scf.for %scan3A_40 = %scan3A to %scan3A_7 step %scan3A_8  : i32 {
      %mul3A_41 = arith.constant 1 : i32
      %mul3A_42 = arith.muli %scan3A_40, %mul3A_41 : i32
      %add3A_43 = arith.constant 0 : i32
      %add3A_44 = arith.addi %add3A_43, %mul3A_42 : i32
      %swap3A = arith.index_cast %add3A_44 : i32 to index
      %swap3A_45 = arith.constant 0 : index
      %swap3A_46 = tpu.vector_load %arg17[%swap3A, %swap3A_45] {strides = array<i32>} : memref<80x16xf32, #tpu.memory_space<vmem>>, vector<16xf32>,
      tpu.vector_store %arg17[%swap3A, %swap3A_45], %broadcast_in_dim3A_5 {strides = array<i32>} : memref<80x16xf32, #tpu.memory_space<vmem>>, vector<16xf32>,
    }
    %scan3A_9 = arith.constant 80 : i32
    %mul3A_10 = arith.constant 3125 : i32
    %mul3A_11 = arith.muli %arg1, %mul3A_10 : i32
    %min3A = arith.constant 46875 : i32
    %min3A_12 = arith.minsi %mul3A_11, %min3A : i32
    %scan3A_13 = arith.constant 0 : i32
    %scan3A_14 = arith.constant 40 : i32
    %scan3A_15 = arith.addi %scan3A_13, %scan3A_14 : i32
    %scan3A_16 = arith.constant 1 : i32
    scf.for %scan3A_40 = %scan3A_13 to %scan3A_15 step %scan3A_16  : i32 {
      %mul3A_41 = arith.constant 1 : i32
      %mul3A_42 = arith.muli %scan3A_40, %mul3A_41 : i32
      %add3A_43 = arith.constant 0 : i32
      %add3A_44 = arith.addi %add3A_43, %mul3A_42 : i32
      %mul3A_45 = arith.constant 80 : i32
      %mul3A_46 = arith.muli %add3A_44, %mul3A_45 : i32
      %min3A_47 = arith.constant 3045 : i32
      %min3A_48 = arith.minsi %mul3A_46, %min3A_47 : i32
      %add3A_49 = arith.addi %min3A_12, %min3A_48 : i32
      %add3A_50 = arith.constant 0 : i32
      %add3A_51 = arith.addi %add3A_49, %add3A_50 : i32
      %add3A_52 = vector.broadcast %add3A_51 : i32 to vector<16xi32>
      %add3A_53 = arith.addi %iota3A, %add3A_52 : vector<16xi32>
      %swap3A = arith.constant 0 : index
      %swap3A_54 = tpu.vector_load %arg14[%swap3A] {strides = array<i32>} : memref<80xi32, #tpu.memory_space<vmem>>, vector<16xi32>,
      tpu.vector_store %arg14[%swap3A], %add3A_53 {strides = array<i32>} : memref<80xi32, #tpu.memory_space<vmem>>, vector<16xi32>,
      %add3A_55 = arith.constant 16 : i32
      %add3A_56 = arith.addi %add3A_49, %add3A_55 : i32
      %add3A_57 = vector.broadcast %add3A_56 : i32 to vector<16xi32>
      %add3A_58 = arith.addi %iota3A, %add3A_57 : vector<16xi32>
      %swap3A_59 = arith.constant 16 : index
      %swap3A_60 = tpu.vector_load %arg14[%swap3A_59] {strides = array<i32>} : memref<80xi32, #tpu.memory_space<vmem>>, vector<16xi32>,
      tpu.vector_store %arg14[%swap3A_59], %add3A_58 {strides = array<i32>} : memref<80xi32, #tpu.memory_space<vmem>>, vector<16xi32>,
      %add3A_61 = arith.constant 32 : i32
      %add3A_62 = arith.addi %add3A_49, %add3A_61 : i32
      %add3A_63 = vector.broadcast %add3A_62 : i32 to vector<16xi32>
      %add3A_64 = arith.addi %iota3A, %add3A_63 : vector<16xi32>
      %swap3A_65 = arith.constant 32 : index
      %swap3A_66 = tpu.vector_load %arg14[%swap3A_65] {strides = array<i32>} : memref<80xi32, #tpu.memory_space<vmem>>, vector<16xi32>,
      tpu.vector_store %arg14[%swap3A_65], %add3A_64 {strides = array<i32>} : memref<80xi32, #tpu.memory_space<vmem>>, vector<16xi32>,
      %add3A_67 = arith.constant 48 : i32
      %add3A_68 = arith.addi %add3A_49, %add3A_67 : i32
      %add3A_69 = vector.broadcast %add3A_68 : i32 to vector<16xi32>
      %add3A_70 = arith.addi %iota3A, %add3A_69 : vector<16xi32>
      %swap3A_71 = arith.constant 48 : index
      %swap3A_72 = tpu.vector_load %arg14[%swap3A_71] {strides = array<i32>} : memref<80xi32, #tpu.memory_space<vmem>>, vector<16xi32>,
      tpu.vector_store %arg14[%swap3A_71], %add3A_70 {strides = array<i32>} : memref<80xi32, #tpu.memory_space<vmem>>, vector<16xi32>,
      %add3A_73 = arith.constant 64 : i32
      %add3A_74 = arith.addi %add3A_49, %add3A_73 : i32
      %add3A_75 = vector.broadcast %add3A_74 : i32 to vector<16xi32>
      %add3A_76 = arith.addi %iota3A, %add3A_75 : vector<16xi32>
      %swap3A_77 = arith.constant 64 : index
      %swap3A_78 = tpu.vector_load %arg14[%swap3A_77] {strides = array<i32>} : memref<80xi32, #tpu.memory_space<vmem>>, vector<16xi32>,
      tpu.vector_store %arg14[%swap3A_77], %add3A_76 {strides = array<i32>} : memref<80xi32, #tpu.memory_space<vmem>>, vector<16xi32>,
      "tpu.region"() ({
        %run_scoped3A = tpu.sem_alloc : memref<!tpu.dma_semaphore, #tpu.memory_space<semaphore_mem>>
        %dma_start3A = arith.constant 0 : i32
        %dma_start3A_79 = arith.constant 0 : i32
        %dma_start3A_80 = tpu.memref_slice %arg20[%dma_start3A, %dma_start3A_79] : memref<50000x16xf32, #tpu.memory_space<vmem_shared>> -> memref<50000x16xf32, #tpu.memory_space<vmem_shared>>
        tpu.enqueue_indirect_dma source(%arg17 : memref<80x16xf32, #tpu.memory_space<vmem>>) target(%dma_start3A_80 : memref<50000x16xf32, #tpu.memory_space<vmem_shared>>) offsets(%arg14 : memref<80xi32, #tpu.memory_space<vmem>>) semaphore(%run_scoped3A : memref<!tpu.dma_semaphore, #tpu.memory_space<semaphore_mem>>)
        %dma_wait3A = arith.constant 0 : i32
        %dma_wait3A_81 = arith.constant 0 : i32
        %dma_wait3A_82 = tpu.memref_slice %arg20[%dma_wait3A, %dma_wait3A_81] : memref<50000x16xf32, #tpu.memory_space<vmem_shared>> -> memref<50000x16xf32, #tpu.memory_space<vmem_shared>>
        tpu.wait_indirect_dma semaphore(%run_scoped3A : memref<!tpu.dma_semaphore, #tpu.memory_space<semaphore_mem>>) src(%arg17 : memref<80x16xf32, #tpu.memory_space<vmem>>) dst(%dma_wait3A_82 : memref<50000x16xf32, #tpu.memory_space<vmem_shared>>)
        tpu.yield
      }) : () -> ()
    }
    %scan3A_17 = arith.constant 40 : i32
    %mul3A_18 = arith.constant 1563 : i32
    %mul3A_19 = arith.muli %arg1, %mul3A_18 : i32
    %min3A_20 = arith.constant 23437 : i32
    %min3A_21 = arith.minsi %mul3A_19, %min3A_20 : i32
    %scan3A_22 = arith.constant 0 : i32
    %scan3A_23 = arith.constant 20 : i32
    %scan3A_24 = arith.addi %scan3A_22, %scan3A_23 : i32
    %scan3A_25 = arith.constant 1 : i32
    scf.for %scan3A_40 = %scan3A_22 to %scan3A_24 step %scan3A_25  : i32 {
      %mul3A_41 = arith.constant 1 : i32
      %mul3A_42 = arith.muli %scan3A_40, %mul3A_41 : i32
      %add3A_43 = arith.constant 0 : i32
      %add3A_44 = arith.addi %add3A_43, %mul3A_42 : i32
      %mul3A_45 = arith.constant 80 : i32
      %mul3A_46 = arith.muli %add3A_44, %mul3A_45 : i32
      %min3A_47 = arith.constant 1483 : i32
      %min3A_48 = arith.minsi %mul3A_46, %min3A_47 : i32
      %add3A_49 = arith.addi %min3A_21, %min3A_48 : i32
      %add3A_50 = arith.constant 0 : i32
      %add3A_51 = arith.addi %add3A_49, %add3A_50 : i32
      %add3A_52 = vector.broadcast %add3A_51 : i32 to vector<16xi32>
      %add3A_53 = arith.addi %iota3A, %add3A_52 : vector<16xi32>
      %swap3A = arith.constant 0 : index
      %swap3A_54 = tpu.vector_load %arg14[%swap3A] {strides = array<i32>} : memref<80xi32, #tpu.memory_space<vmem>>, vector<16xi32>,
      tpu.vector_store %arg14[%swap3A], %add3A_53 {strides = array<i32>} : memref<80xi32, #tpu.memory_space<vmem>>, vector<16xi32>,
      %add3A_55 = arith.constant 16 : i32
      %add3A_56 = arith.addi %add3A_49, %add3A_55 : i32
      %add3A_57 = vector.broadcast %add3A_56 : i32 to vector<16xi32>
      %add3A_58 = arith.addi %iota3A, %add3A_57 : vector<16xi32>
      %swap3A_59 = arith.constant 16 : index
      %swap3A_60 = tpu.vector_load %arg14[%swap3A_59] {strides = array<i32>} : memref<80xi32, #tpu.memory_space<vmem>>, vector<16xi32>,
      tpu.vector_store %arg14[%swap3A_59], %add3A_58 {strides = array<i32>} : memref<80xi32, #tpu.memory_space<vmem>>, vector<16xi32>,
      %add3A_61 = arith.constant 32 : i32
      %add3A_62 = arith.addi %add3A_49, %add3A_61 : i32
      %add3A_63 = vector.broadcast %add3A_62 : i32 to vector<16xi32>
      %add3A_64 = arith.addi %iota3A, %add3A_63 : vector<16xi32>
      %swap3A_65 = arith.constant 32 : index
      %swap3A_66 = tpu.vector_load %arg14[%swap3A_65] {strides = array<i32>} : memref<80xi32, #tpu.memory_space<vmem>>, vector<16xi32>,
      tpu.vector_store %arg14[%swap3A_65], %add3A_64 {strides = array<i32>} : memref<80xi32, #tpu.memory_space<vmem>>, vector<16xi32>,
      %add3A_67 = arith.constant 48 : i32
      %add3A_68 = arith.addi %add3A_49, %add3A_67 : i32
      %add3A_69 = vector.broadcast %add3A_68 : i32 to vector<16xi32>
      %add3A_70 = arith.addi %iota3A, %add3A_69 : vector<16xi32>
      %swap3A_71 = arith.constant 48 : index
      %swap3A_72 = tpu.vector_load %arg14[%swap3A_71] {strides = array<i32>} : memref<80xi32, #tpu.memory_space<vmem>>, vector<16xi32>,
      tpu.vector_store %arg14[%swap3A_71], %add3A_70 {strides = array<i32>} : memref<80xi32, #tpu.memory_space<vmem>>, vector<16xi32>,
      %add3A_73 = arith.constant 64 : i32
      %add3A_74 = arith.addi %add3A_49, %add3A_73 : i32
      %add3A_75 = vector.broadcast %add3A_74 : i32 to vector<16xi32>
      %add3A_76 = arith.addi %iota3A, %add3A_75 : vector<16xi32>
      %swap3A_77 = arith.constant 64 : index
      %swap3A_78 = tpu.vector_load %arg14[%swap3A_77] {strides = array<i32>} : memref<80xi32, #tpu.memory_space<vmem>>, vector<16xi32>,
      tpu.vector_store %arg14[%swap3A_77], %add3A_76 {strides = array<i32>} : memref<80xi32, #tpu.memory_space<vmem>>, vector<16xi32>,
      "tpu.region"() ({
        %run_scoped3A = tpu.sem_alloc : memref<!tpu.dma_semaphore, #tpu.memory_space<semaphore_mem>>
        %dma_start3A = arith.constant 0 : i32
        %dma_start3A_79 = arith.constant 0 : i32
        %dma_start3A_80 = tpu.memref_slice %arg21[%dma_start3A, %dma_start3A_79] : memref<25000x16xf32, #tpu.memory_space<vmem_shared>> -> memref<25000x16xf32, #tpu.memory_space<vmem_shared>>
        tpu.enqueue_indirect_dma source(%arg17 : memref<80x16xf32, #tpu.memory_space<vmem>>) target(%dma_start3A_80 : memref<25000x16xf32, #tpu.memory_space<vmem_shared>>) offsets(%arg14 : memref<80xi32, #tpu.memory_space<vmem>>) semaphore(%run_scoped3A : memref<!tpu.dma_semaphore, #tpu.memory_space<semaphore_mem>>)
        %dma_wait3A = arith.constant 0 : i32
        %dma_wait3A_81 = arith.constant 0 : i32
        %dma_wait3A_82 = tpu.memref_slice %arg21[%dma_wait3A, %dma_wait3A_81] : memref<25000x16xf32, #tpu.memory_space<vmem_shared>> -> memref<25000x16xf32, #tpu.memory_space<vmem_shared>>
        tpu.wait_indirect_dma semaphore(%run_scoped3A : memref<!tpu.dma_semaphore, #tpu.memory_space<semaphore_mem>>) src(%arg17 : memref<80x16xf32, #tpu.memory_space<vmem>>) dst(%dma_wait3A_82 : memref<25000x16xf32, #tpu.memory_space<vmem_shared>>)
        tpu.yield
      }) : () -> ()
    }
    %scan3A_26 = arith.constant 20 : i32
    %barrier3A = arith.constant 0 : index
    tpu.barrier barrier_id(%barrier3A)
    %scan3A_27 = arith.constant 0 : i32
    %scan3A_28 = arith.constant 2500 : i32
    %scan3A_29 = arith.addi %scan3A_27, %scan3A_28 : i32
    %scan3A_30 = arith.constant 1 : i32
    scf.for %scan3A_40 = %scan3A_27 to %scan3A_29 step %scan3A_30  : i32 {
      %mul3A_41 = arith.constant 1 : i32
      %mul3A_42 = arith.muli %scan3A_40, %mul3A_41 : i32
      %add3A_43 = arith.constant 0 : i32
      %add3A_44 = arith.addi %add3A_43, %mul3A_42 : i32
      %mul3A_45 = arith.constant 200000 : i32
      %mul3A_46 = arith.muli %add3A, %mul3A_45 : i32
      %mul3A_47 = arith.constant 80 : i32
      %mul3A_48 = arith.muli %add3A_44, %mul3A_47 : i32
      %add3A_49 = arith.addi %mul3A_46, %mul3A_48 : i32
      %multiple_of3A = tpu.assume_multiple %add3A_49, 8 : i32
      %dma_start3A = tpu.memref_slice %arg2[%multiple_of3A] : memref<6400000xi32, #tpu.memory_space<hbm>> -> memref<80xi32, #tpu.memory_space<hbm>>
      %dma_start3A_50 = tpu.memref_slice %arg2[%multiple_of3A] : memref<6400000xi32, #tpu.memory_space<hbm>> -> memref<80xi32, #tpu.memory_space<hbm>>
      tpu.enqueue_dma source(%dma_start3A_50 : memref<80xi32, #tpu.memory_space<hbm>>) target(%arg10 : memref<80xi32, #tpu.memory_space<vmem>>) target_semaphore(%arg22 : memref<!tpu.dma_semaphore, #tpu.memory_space<semaphore_mem>>)
      %dma_start3A_51 = tpu.memref_slice %arg3[%multiple_of3A] : memref<6400000xi32, #tpu.memory_space<hbm>> -> memref<80xi32, #tpu.memory_space<hbm>>
      %dma_start3A_52 = tpu.memref_slice %arg3[%multiple_of3A] : memref<6400000xi32, #tpu.memory_space<hbm>> -> memref<80xi32, #tpu.memory_space<hbm>>
      tpu.enqueue_dma source(%dma_start3A_52 : memref<80xi32, #tpu.memory_space<hbm>>) target(%arg11 : memref<80xi32, #tpu.memory_space<vmem>>) target_semaphore(%arg23 : memref<!tpu.dma_semaphore, #tpu.memory_space<semaphore_mem>>)
      %dma_wait3A = tpu.memref_slice %arg2[%multiple_of3A] : memref<6400000xi32, #tpu.memory_space<hbm>> -> memref<80xi32, #tpu.memory_space<hbm>>
      %dma_wait3A_53 = tpu.memref_slice %arg2[%multiple_of3A] : memref<6400000xi32, #tpu.memory_space<hbm>> -> memref<80xi32, #tpu.memory_space<hbm>>
      tpu.wait_dma2 semaphore(%arg22 : memref<!tpu.dma_semaphore, #tpu.memory_space<semaphore_mem>>) src(%dma_wait3A_53 : memref<80xi32, #tpu.memory_space<hbm>>) dst(%arg10 : memref<80xi32, #tpu.memory_space<vmem>>)
      %dma_wait3A_54 = tpu.memref_slice %arg3[%multiple_of3A] : memref<6400000xi32, #tpu.memory_space<hbm>> -> memref<80xi32, #tpu.memory_space<hbm>>
      %dma_wait3A_55 = tpu.memref_slice %arg3[%multiple_of3A] : memref<6400000xi32, #tpu.memory_space<hbm>> -> memref<80xi32, #tpu.memory_space<hbm>>
      tpu.wait_dma2 semaphore(%arg23 : memref<!tpu.dma_semaphore, #tpu.memory_space<semaphore_mem>>) src(%dma_wait3A_55 : memref<80xi32, #tpu.memory_space<hbm>>) dst(%arg11 : memref<80xi32, #tpu.memory_space<vmem>>)
      %dma_start3A_56 = arith.constant 0 : i32
      %dma_start3A_57 = arith.constant 0 : i32
      %dma_start3A_58 = tpu.memref_slice %arg4[%dma_start3A_56, %dma_start3A_57] : memref<100000x16xf32, #tpu.memory_space<hbm>> -> memref<100000x16xf32, #tpu.memory_space<hbm>>
      tpu.enqueue_indirect_dma source(%dma_start3A_58 : memref<100000x16xf32, #tpu.memory_space<hbm>>) target(%arg15 : memref<80x16xf32, #tpu.memory_space<vmem>>) offsets(%arg10 : memref<80xi32, #tpu.memory_space<vmem>>) semaphore(%arg22 : memref<!tpu.dma_semaphore, #tpu.memory_space<semaphore_mem>>)
      %dma_start3A_59 = arith.constant 0 : i32
      %dma_start3A_60 = arith.constant 0 : i32
      %dma_start3A_61 = tpu.memref_slice %arg5[%dma_start3A_59, %dma_start3A_60] : memref<100000x16xf32, #tpu.memory_space<hbm>> -> memref<100000x16xf32, #tpu.memory_space<hbm>>
      tpu.enqueue_indirect_dma source(%dma_start3A_61 : memref<100000x16xf32, #tpu.memory_space<hbm>>) target(%arg16 : memref<80x16xf32, #tpu.memory_space<vmem>>) offsets(%arg11 : memref<80xi32, #tpu.memory_space<vmem>>) semaphore(%arg23 : memref<!tpu.dma_semaphore, #tpu.memory_space<semaphore_mem>>)
      %scan3A_62 = arith.constant 0 : i32
      %scan3A_63 = arith.constant 5 : i32
      %scan3A_64 = arith.addi %scan3A_62, %scan3A_63 : i32
      %scan3A_65 = arith.constant 1 : i32
      scf.for %scan3A_100 = %scan3A_62 to %scan3A_64 step %scan3A_65  : i32 {
        %mul3A_101 = arith.constant 16 : i32
        %mul3A_102 = arith.muli %scan3A_100, %mul3A_101 : i32
        %add3A_103 = arith.constant 0 : i32
        %add3A_104 = arith.addi %add3A_103, %mul3A_102 : i32
        %get3A = arith.index_cast %add3A_104 : i32 to index
        %get3A_105 = tpu.vector_load %arg11[%get3A] {strides = array<i32>} : memref<80xi32, #tpu.memory_space<vmem>>, vector<16xi32>,
        %shift_right_arithmetic3A_106 = arith.constant 2 : i32
        %shift_right_arithmetic3A_107 = vector.broadcast %shift_right_arithmetic3A_106 : i32 to vector<16xi32>
        %shift_right_arithmetic3A_108 = arith.shrsi %get3A_105, %shift_right_arithmetic3A_107 : vector<16xi32>
        %swap3A = arith.index_cast %add3A_104 : i32 to index
        %swap3A_109 = tpu.vector_load %arg13[%swap3A] {strides = array<i32>} : memref<80xi32, #tpu.memory_space<vmem>>, vector<16xi32>,
        tpu.vector_store %arg13[%swap3A], %shift_right_arithmetic3A_108 {strides = array<i32>} : memref<80xi32, #tpu.memory_space<vmem>>, vector<16xi32>,
        %shift_right_arithmetic3A_110 = arith.constant 1 : i32
        %shift_right_arithmetic3A_111 = vector.broadcast %shift_right_arithmetic3A_110 : i32 to vector<16xi32>
        %shift_right_arithmetic3A_112 = arith.shrsi %get3A_105, %shift_right_arithmetic3A_111 : vector<16xi32>
        %swap3A_113 = arith.index_cast %add3A_104 : i32 to index
        %swap3A_114 = tpu.vector_load %arg12[%swap3A_113] {strides = array<i32>} : memref<80xi32, #tpu.memory_space<vmem>>, vector<16xi32>,
        tpu.vector_store %arg12[%swap3A_113], %shift_right_arithmetic3A_112 {strides = array<i32>} : memref<80xi32, #tpu.memory_space<vmem>>, vector<16xi32>,
      }
      %scan3A_66 = arith.constant 5 : i32
      %dma_wait3A_67 = arith.constant 0 : i32
      %dma_wait3A_68 = arith.constant 0 : i32
      %dma_wait3A_69 = tpu.memref_slice %arg4[%dma_wait3A_67, %dma_wait3A_68] : memref<100000x16xf32, #tpu.memory_space<hbm>> -> memref<100000x16xf32, #tpu.memory_space<hbm>>
      tpu.wait_indirect_dma semaphore(%arg22 : memref<!tpu.dma_semaphore, #tpu.memory_space<semaphore_mem>>) src(%dma_wait3A_69 : memref<100000x16xf32, #tpu.memory_space<hbm>>) dst(%arg15 : memref<80x16xf32, #tpu.memory_space<vmem>>)
      %dma_wait3A_70 = arith.constant 0 : i32
      %dma_wait3A_71 = arith.constant 0 : i32
      %dma_wait3A_72 = tpu.memref_slice %arg5[%dma_wait3A_70, %dma_wait3A_71] : memref<100000x16xf32, #tpu.memory_space<hbm>> -> memref<100000x16xf32, #tpu.memory_space<hbm>>
      tpu.wait_indirect_dma semaphore(%arg23 : memref<!tpu.dma_semaphore, #tpu.memory_space<semaphore_mem>>) src(%dma_wait3A_72 : memref<100000x16xf32, #tpu.memory_space<hbm>>) dst(%arg16 : memref<80x16xf32, #tpu.memory_space<vmem>>)
      %scan3A_73 = arith.constant 0 : i32
      %scan3A_74 = arith.constant 80 : i32
      %scan3A_75 = arith.addi %scan3A_73, %scan3A_74 : i32
      %scan3A_76 = arith.constant 1 : i32
      scf.for %scan3A_100 = %scan3A_73 to %scan3A_75 step %scan3A_76  : i32 {
        %mul3A_101 = arith.constant 1 : i32
        %mul3A_102 = arith.muli %scan3A_100, %mul3A_101 : i32
        %add3A_103 = arith.constant 0 : i32
        %add3A_104 = arith.addi %add3A_103, %mul3A_102 : i32
        %swap3A = arith.index_cast %add3A_104 : i32 to index
        %swap3A_105 = arith.constant 0 : index
        %swap3A_106 = tpu.vector_load %arg18[%swap3A, %swap3A_105] {strides = array<i32>} : memref<80x16xf32, #tpu.memory_space<vmem>>, vector<16xf32>,
        tpu.vector_store %arg18[%swap3A, %swap3A_105], %broadcast_in_dim3A_5 {strides = array<i32>} : memref<80x16xf32, #tpu.memory_space<vmem>>, vector<16xf32>,
      }
      %scan3A_77 = arith.constant 80 : i32
      %scan3A_78 = arith.constant 0 : i32
      %scan3A_79 = arith.constant 80 : i32
      %scan3A_80 = arith.addi %scan3A_78, %scan3A_79 : i32
      %scan3A_81 = arith.constant 1 : i32
      scf.for %scan3A_100 = %scan3A_78 to %scan3A_80 step %scan3A_81  : i32 {
        %mul3A_101 = arith.constant 1 : i32
        %mul3A_102 = arith.muli %scan3A_100, %mul3A_101 : i32
        %add3A_103 = arith.constant 0 : i32
        %add3A_104 = arith.addi %add3A_103, %mul3A_102 : i32
        %swap3A = arith.index_cast %add3A_104 : i32 to index
        %swap3A_105 = arith.constant 0 : index
        %swap3A_106 = tpu.vector_load %arg17[%swap3A, %swap3A_105] {strides = array<i32>} : memref<80x16xf32, #tpu.memory_space<vmem>>, vector<16xf32>,
        tpu.vector_store %arg17[%swap3A, %swap3A_105], %broadcast_in_dim3A_5 {strides = array<i32>} : memref<80x16xf32, #tpu.memory_space<vmem>>, vector<16xf32>,
      }
      %scan3A_82 = arith.constant 80 : i32
      %scan3A_83 = arith.constant 0 : i32
      %scan3A_84 = arith.constant 20 : i32
      %scan3A_85 = arith.addi %scan3A_83, %scan3A_84 : i32
      %scan3A_86 = arith.constant 1 : i32
      scf.for %scan3A_100 = %scan3A_83 to %scan3A_85 step %scan3A_86  : i32 {
        %mul3A_101 = arith.constant 4 : i32
        %mul3A_102 = arith.muli %scan3A_100, %mul3A_101 : i32
        %add3A_103 = arith.constant 0 : i32
        %add3A_104 = arith.addi %add3A_103, %mul3A_102 : i32
        %add3A_105 = vector.broadcast %add3A_104 : i32 to vector<16xi32>
        %add3A_106 = arith.addi %add3A_105, %shift_right_arithmetic3A_2 : vector<16xi32>
        %gather3A = tpu.vector_load_idx %arg15[%add3A_106, %and3A_4] : memref<80x16xf32, #tpu.memory_space<vmem>>[vector<16xi32>, vector<16xi32>], vector<16xf32>,
        %add3A_107 = vector.broadcast %add3A_104 : i32 to vector<16xi32>
        %add3A_108 = arith.addi %add3A_107, %shift_right_arithmetic3A_2 : vector<16xi32>
        %gather3A_109 = tpu.vector_load_idx %arg16[%add3A_108, %and3A_4] : memref<80x16xf32, #tpu.memory_space<vmem>>[vector<16xi32>, vector<16xi32>], vector<16xf32>,
        %add3A_110 = arith.addf %gather3A, %gather3A_109 : vector<16xf32>
        %mul3A_111 = arith.constant 2.000000e-01 : f32
        %mul3A_112 = vector.broadcast %mul3A_111 : f32 to vector<16xf32>
        %mul3A_113 = arith.mulf %mul3A_112, %add3A_110 : vector<16xf32>
        %max3A = arith.maximumf %add3A_110, %mul3A_113 : vector<16xf32>
        %exp3A = math.exp %max3A : vector<16xf32>
        %swap3A = arith.constant 0 : index
        %swap3A_114 = tpu.vector_load %arg19[%swap3A] {strides = array<i32>} : memref<16xf32, #tpu.memory_space<vmem>>, vector<16xf32>,
        tpu.vector_store %arg19[%swap3A], %exp3A {strides = array<i32>} : memref<16xf32, #tpu.memory_space<vmem>>, vector<16xf32>,
        %add3A_115 = vector.broadcast %add3A_104 : i32 to vector<16xi32>
        %add3A_116 = arith.addi %add3A_115, %shift_right_arithmetic3A_2 : vector<16xi32>
        %gather3A_117 = tpu.vector_load_idx %arg11[%add3A_116] : memref<80xi32, #tpu.memory_space<vmem>>[vector<16xi32>], vector<16xi32>,
        %add3A_118 = vector.broadcast %add3A_104 : i32 to vector<16xi32>
        %add3A_119 = arith.addi %add3A_118, %shift_right_arithmetic3A_2 : vector<16xi32>
        %and3A_120 = arith.constant 3 : i32
        %and3A_121 = vector.broadcast %and3A_120 : i32 to vector<16xi32>
        %and3A_122 = arith.andi %gather3A_117, %and3A_121 : vector<16xi32>
        %mul3A_123 = arith.constant 4 : i32
        %mul3A_124 = vector.broadcast %mul3A_123 : i32 to vector<16xi32>
        %mul3A_125 = arith.muli %and3A_122, %mul3A_124 : vector<16xi32>
        %add3A_126 = arith.addi %mul3A_125, %and3A_4 : vector<16xi32>
        tpu.vector_store_idx %arg18[%add3A_119, %add3A_126], %exp3A : memref<80x16xf32, #tpu.memory_space<vmem>>[vector<16xi32>, vector<16xi32>], vector<16xf32>,
        %and3A_127 = arith.constant 7 : i32
        %and3A_128 = vector.broadcast %and3A_127 : i32 to vector<16xi32>
        %and3A_129 = arith.andi %iota3A, %and3A_128 : vector<16xi32>
        %shift_right_arithmetic3A_130 = arith.constant 3 : i32
        %shift_right_arithmetic3A_131 = vector.broadcast %shift_right_arithmetic3A_130 : i32 to vector<16xi32>
        %shift_right_arithmetic3A_132 = arith.shrsi %iota3A, %shift_right_arithmetic3A_131 : vector<16xi32>
        %add3A_133 = arith.constant 0 : i32
        %add3A_134 = vector.broadcast %add3A_133 : i32 to vector<16xi32>
        %add3A_135 = arith.addi %shift_right_arithmetic3A_132, %add3A_134 : vector<16xi32>
        %mul3A_136 = arith.constant 4 : i32
        %mul3A_137 = vector.broadcast %mul3A_136 : i32 to vector<16xi32>
        %mul3A_138 = arith.muli %add3A_135, %mul3A_137 : vector<16xi32>
        %shift_right_arithmetic3A_139 = arith.constant 1 : i32
        %shift_right_arithmetic3A_140 = vector.broadcast %shift_right_arithmetic3A_139 : i32 to vector<16xi32>
        %shift_right_arithmetic3A_141 = arith.shrsi %and3A_129, %shift_right_arithmetic3A_140 : vector<16xi32>
        %add3A_142 = arith.addi %mul3A_138, %shift_right_arithmetic3A_141 : vector<16xi32>
        %gather3A_143 = tpu.vector_load_idx %arg19[%add3A_142] : memref<16xf32, #tpu.memory_space<vmem>>[vector<16xi32>], vector<16xf32>,
        %add3A_144 = vector.broadcast %add3A_104 : i32 to vector<16xi32>
        %add3A_145 = arith.addi %add3A_144, %add3A_135 : vector<16xi32>
        %add3A_146 = arith.constant 4 : i32
        %add3A_147 = vector.broadcast %add3A_146 : i32 to vector<16xi32>
        %add3A_148 = arith.addi %and3A_129, %add3A_147 : vector<16xi32>
        %gather3A_149 = tpu.vector_load_idx %arg15[%add3A_145, %add3A_148] : memref<80x16xf32, #tpu.memory_space<vmem>>[vector<16xi32>, vector<16xi32>], vector<16xf32>,
        %add3A_150 = vector.broadcast %add3A_104 : i32 to vector<16xi32>
        %add3A_151 = arith.addi %add3A_150, %add3A_135 : vector<16xi32>
        %gather3A_152 = tpu.vector_load_idx %arg11[%add3A_151] : memref<80xi32, #tpu.memory_space<vmem>>[vector<16xi32>], vector<16xi32>,
        %add3A_153 = vector.broadcast %add3A_104 : i32 to vector<16xi32>
        %add3A_154 = arith.addi %add3A_153, %add3A_135 : vector<16xi32>
        %and3A_155 = arith.constant 1 : i32
        %and3A_156 = vector.broadcast %and3A_155 : i32 to vector<16xi32>
        %and3A_157 = arith.andi %gather3A_152, %and3A_156 : vector<16xi32>
        %mul3A_158 = arith.constant 8 : i32
        %mul3A_159 = vector.broadcast %mul3A_158 : i32 to vector<16xi32>
        %mul3A_160 = arith.muli %and3A_157, %mul3A_159 : vector<16xi32>
        %add3A_161 = arith.addi %mul3A_160, %and3A_129 : vector<16xi32>
        %mul3A_162 = arith.mulf %gather3A_143, %gather3A_149 : vector<16xf32>
        tpu.vector_store_idx %arg17[%add3A_154, %add3A_161], %mul3A_162 : memref<80x16xf32, #tpu.memory_space<vmem>>[vector<16xi32>, vector<16xi32>], vector<16xf32>,
        %shift_right_arithmetic3A_163 = arith.constant 3 : i32
        %shift_right_arithmetic3A_164 = vector.broadcast %shift_right_arithmetic3A_163 : i32 to vector<16xi32>
        %shift_right_arithmetic3A_165 = arith.shrsi %iota3A, %shift_right_arithmetic3A_164 : vector<16xi32>
        %add3A_166 = arith.constant 2 : i32
        %add3A_167 = vector.broadcast %add3A_166 : i32 to vector<16xi32>
        %add3A_168 = arith.addi %shift_right_arithmetic3A_165, %add3A_167 : vector<16xi32>
        %mul3A_169 = arith.constant 4 : i32
        %mul3A_170 = vector.broadcast %mul3A_169 : i32 to vector<16xi32>
        %mul3A_171 = arith.muli %add3A_168, %mul3A_170 : vector<16xi32>
        %shift_right_arithmetic3A_172 = arith.constant 1 : i32
        %shift_right_arithmetic3A_173 = vector.broadcast %shift_right_arithmetic3A_172 : i32 to vector<16xi32>
        %shift_right_arithmetic3A_174 = arith.shrsi %and3A_129, %shift_right_arithmetic3A_173 : vector<16xi32>
        %add3A_175 = arith.addi %mul3A_171, %shift_right_arithmetic3A_174 : vector<16xi32>
        %gather3A_176 = tpu.vector_load_idx %arg19[%add3A_175] : memref<16xf32, #tpu.memory_space<vmem>>[vector<16xi32>], vector<16xf32>,
        %add3A_177 = vector.broadcast %add3A_104 : i32 to vector<16xi32>
        %add3A_178 = arith.addi %add3A_177, %add3A_168 : vector<16xi32>
        %add3A_179 = arith.constant 4 : i32
        %add3A_180 = vector.broadcast %add3A_179 : i32 to vector<16xi32>
        %add3A_181 = arith.addi %and3A_129, %add3A_180 : vector<16xi32>
        %gather3A_182 = tpu.vector_load_idx %arg15[%add3A_178, %add3A_181] : memref<80x16xf32, #tpu.memory_space<vmem>>[vector<16xi32>, vector<16xi32>], vector<16xf32>,
        %add3A_183 = vector.broadcast %add3A_104 : i32 to vector<16xi32>
        %add3A_184 = arith.addi %add3A_183, %add3A_168 : vector<16xi32>
        %gather3A_185 = tpu.vector_load_idx %arg11[%add3A_184] : memref<80xi32, #tpu.memory_space<vmem>>[vector<16xi32>], vector<16xi32>,
        %add3A_186 = vector.broadcast %add3A_104 : i32 to vector<16xi32>
        %add3A_187 = arith.addi %add3A_186, %add3A_168 : vector<16xi32>
        %and3A_188 = arith.constant 1 : i32
        %and3A_189 = vector.broadcast %and3A_188 : i32 to vector<16xi32>
        %and3A_190 = arith.andi %gather3A_185, %and3A_189 : vector<16xi32>
        %mul3A_191 = arith.constant 8 : i32
        %mul3A_192 = vector.broadcast %mul3A_191 : i32 to vector<16xi32>
        %mul3A_193 = arith.muli %and3A_190, %mul3A_192 : vector<16xi32>
        %add3A_194 = arith.addi %mul3A_193, %and3A_129 : vector<16xi32>
        %mul3A_195 = arith.mulf %gather3A_176, %gather3A_182 : vector<16xf32>
        tpu.vector_store_idx %arg17[%add3A_187, %add3A_194], %mul3A_195 : memref<80x16xf32, #tpu.memory_space<vmem>>[vector<16xi32>, vector<16xi32>], vector<16xf32>,
      }
      %scan3A_87 = arith.constant 20 : i32
      %dma_start3A_88 = arith.constant 0 : i32
      %dma_start3A_89 = arith.constant 0 : i32
      %dma_start3A_90 = tpu.memref_slice %arg20[%dma_start3A_88, %dma_start3A_89] : memref<50000x16xf32, #tpu.memory_space<vmem_shared>> -> memref<50000x16xf32, #tpu.memory_space<vmem_shared>>
      tpu.enqueue_indirect_dma source(%arg17 : memref<80x16xf32, #tpu.memory_space<vmem>>) target(%dma_start3A_90 : memref<50000x16xf32, #tpu.memory_space<vmem_shared>>) offsets(%arg12 : memref<80xi32, #tpu.memory_space<vmem>>) semaphore(%arg22 : memref<!tpu.dma_semaphore, #tpu.memory_space<semaphore_mem>>) {add = true}
      %dma_start3A_91 = arith.constant 0 : i32
      %dma_start3A_92 = arith.constant 0 : i32
      %dma_start3A_93 = tpu.memref_slice %arg21[%dma_start3A_91, %dma_start3A_92] : memref<25000x16xf32, #tpu.memory_space<vmem_shared>> -> memref<25000x16xf32, #tpu.memory_space<vmem_shared>>
      tpu.enqueue_indirect_dma source(%arg18 : memref<80x16xf32, #tpu.memory_space<vmem>>) target(%dma_start3A_93 : memref<25000x16xf32, #tpu.memory_space<vmem_shared>>) offsets(%arg13 : memref<80xi32, #tpu.memory_space<vmem>>) semaphore(%arg23 : memref<!tpu.dma_semaphore, #tpu.memory_space<semaphore_mem>>) {add = true}
      %dma_wait3A_94 = arith.constant 0 : i32
      %dma_wait3A_95 = arith.constant 0 : i32
      %dma_wait3A_96 = tpu.memref_slice %arg20[%dma_wait3A_94, %dma_wait3A_95] : memref<50000x16xf32, #tpu.memory_space<vmem_shared>> -> memref<50000x16xf32, #tpu.memory_space<vmem_shared>>
      tpu.wait_indirect_dma semaphore(%arg22 : memref<!tpu.dma_semaphore, #tpu.memory_space<semaphore_mem>>) src(%arg17 : memref<80x16xf32, #tpu.memory_space<vmem>>) dst(%dma_wait3A_96 : memref<50000x16xf32, #tpu.memory_space<vmem_shared>>)
      %dma_wait3A_97 = arith.constant 0 : i32
      %dma_wait3A_98 = arith.constant 0 : i32
      %dma_wait3A_99 = tpu.memref_slice %arg21[%dma_wait3A_97, %dma_wait3A_98] : memref<25000x16xf32, #tpu.memory_space<vmem_shared>> -> memref<25000x16xf32, #tpu.memory_space<vmem_shared>>
      tpu.wait_indirect_dma semaphore(%arg23 : memref<!tpu.dma_semaphore, #tpu.memory_space<semaphore_mem>>) src(%arg18 : memref<80x16xf32, #tpu.memory_space<vmem>>) dst(%dma_wait3A_99 : memref<25000x16xf32, #tpu.memory_space<vmem_shared>>)
    }
    %scan3A_31 = arith.constant 2500 : i32
    %barrier3A_32 = arith.constant 0 : index
    tpu.barrier barrier_id(%barrier3A_32)
    %eq3A = arith.constant 0 : i32
    %eq3A_33 = arith.cmpi eq, %arg0, %eq3A : i32
    %convert_element_type3A = arith.extui %eq3A_33 : i1 to i32
    %cond3A = arith.constant 0 : i32
    %cond3A_34 = arith.cmpi ne, %convert_element_type3A, %cond3A : i32
    scf.if %cond3A_34 {
      %mul3A_40 = arith.constant 3125 : i32
      %mul3A_41 = arith.muli %arg1, %mul3A_40 : i32
      %min3A_42 = arith.constant 46875 : i32
      %min3A_43 = arith.minsi %mul3A_41, %min3A_42 : i32
      %scan3A_44 = arith.constant 0 : i32
      %scan3A_45 = arith.constant 40 : i32
      %scan3A_46 = arith.addi %scan3A_44, %scan3A_45 : i32
      %scan3A_47 = arith.constant 1 : i32
      scf.for %scan3A_58 = %scan3A_44 to %scan3A_46 step %scan3A_47  : i32 {
        %mul3A_59 = arith.constant 1 : i32
        %mul3A_60 = arith.muli %scan3A_58, %mul3A_59 : i32
        %add3A_61 = arith.constant 0 : i32
        %add3A_62 = arith.addi %add3A_61, %mul3A_60 : i32
        %mul3A_63 = arith.constant 80 : i32
        %mul3A_64 = arith.muli %add3A_62, %mul3A_63 : i32
        %min3A_65 = arith.constant 3045 : i32
        %min3A_66 = arith.minsi %mul3A_64, %min3A_65 : i32
        %add3A_67 = arith.addi %min3A_43, %min3A_66 : i32
        %add3A_68 = arith.constant 0 : i32
        %add3A_69 = arith.addi %add3A_67, %add3A_68 : i32
        %add3A_70 = vector.broadcast %add3A_69 : i32 to vector<16xi32>
        %add3A_71 = arith.addi %iota3A, %add3A_70 : vector<16xi32>
        %swap3A = arith.constant 0 : index
        %swap3A_72 = tpu.vector_load %arg14[%swap3A] {strides = array<i32>} : memref<80xi32, #tpu.memory_space<vmem>>, vector<16xi32>,
        tpu.vector_store %arg14[%swap3A], %add3A_71 {strides = array<i32>} : memref<80xi32, #tpu.memory_space<vmem>>, vector<16xi32>,
        %add3A_73 = arith.constant 16 : i32
        %add3A_74 = arith.addi %add3A_67, %add3A_73 : i32
        %add3A_75 = vector.broadcast %add3A_74 : i32 to vector<16xi32>
        %add3A_76 = arith.addi %iota3A, %add3A_75 : vector<16xi32>
        %swap3A_77 = arith.constant 16 : index
        %swap3A_78 = tpu.vector_load %arg14[%swap3A_77] {strides = array<i32>} : memref<80xi32, #tpu.memory_space<vmem>>, vector<16xi32>,
        tpu.vector_store %arg14[%swap3A_77], %add3A_76 {strides = array<i32>} : memref<80xi32, #tpu.memory_space<vmem>>, vector<16xi32>,
        %add3A_79 = arith.constant 32 : i32
        %add3A_80 = arith.addi %add3A_67, %add3A_79 : i32
        %add3A_81 = vector.broadcast %add3A_80 : i32 to vector<16xi32>
        %add3A_82 = arith.addi %iota3A, %add3A_81 : vector<16xi32>
        %swap3A_83 = arith.constant 32 : index
        %swap3A_84 = tpu.vector_load %arg14[%swap3A_83] {strides = array<i32>} : memref<80xi32, #tpu.memory_space<vmem>>, vector<16xi32>,
        tpu.vector_store %arg14[%swap3A_83], %add3A_82 {strides = array<i32>} : memref<80xi32, #tpu.memory_space<vmem>>, vector<16xi32>,
        %add3A_85 = arith.constant 48 : i32
        %add3A_86 = arith.addi %add3A_67, %add3A_85 : i32
        %add3A_87 = vector.broadcast %add3A_86 : i32 to vector<16xi32>
        %add3A_88 = arith.addi %iota3A, %add3A_87 : vector<16xi32>
        %swap3A_89 = arith.constant 48 : index
        %swap3A_90 = tpu.vector_load %arg14[%swap3A_89] {strides = array<i32>} : memref<80xi32, #tpu.memory_space<vmem>>, vector<16xi32>,
        tpu.vector_store %arg14[%swap3A_89], %add3A_88 {strides = array<i32>} : memref<80xi32, #tpu.memory_space<vmem>>, vector<16xi32>,
        %add3A_91 = arith.constant 64 : i32
        %add3A_92 = arith.addi %add3A_67, %add3A_91 : i32
        %add3A_93 = vector.broadcast %add3A_92 : i32 to vector<16xi32>
        %add3A_94 = arith.addi %iota3A, %add3A_93 : vector<16xi32>
        %swap3A_95 = arith.constant 64 : index
        %swap3A_96 = tpu.vector_load %arg14[%swap3A_95] {strides = array<i32>} : memref<80xi32, #tpu.memory_space<vmem>>, vector<16xi32>,
        tpu.vector_store %arg14[%swap3A_95], %add3A_94 {strides = array<i32>} : memref<80xi32, #tpu.memory_space<vmem>>, vector<16xi32>,
        "tpu.region"() ({
          %run_scoped3A = tpu.sem_alloc : memref<!tpu.dma_semaphore, #tpu.memory_space<semaphore_mem>>
          %dma_start3A = arith.constant 0 : i32
          %dma_start3A_97 = arith.constant 0 : i32
          %dma_start3A_98 = tpu.memref_slice %arg20[%dma_start3A, %dma_start3A_97] : memref<50000x16xf32, #tpu.memory_space<vmem_shared>> -> memref<50000x16xf32, #tpu.memory_space<vmem_shared>>
          tpu.enqueue_indirect_dma source(%dma_start3A_98 : memref<50000x16xf32, #tpu.memory_space<vmem_shared>>) target(%arg17 : memref<80x16xf32, #tpu.memory_space<vmem>>) offsets(%arg14 : memref<80xi32, #tpu.memory_space<vmem>>) semaphore(%run_scoped3A : memref<!tpu.dma_semaphore, #tpu.memory_space<semaphore_mem>>)
          %dma_wait3A = arith.constant 0 : i32
          %dma_wait3A_99 = arith.constant 0 : i32
          %dma_wait3A_100 = tpu.memref_slice %arg20[%dma_wait3A, %dma_wait3A_99] : memref<50000x16xf32, #tpu.memory_space<vmem_shared>> -> memref<50000x16xf32, #tpu.memory_space<vmem_shared>>
          tpu.wait_indirect_dma semaphore(%run_scoped3A : memref<!tpu.dma_semaphore, #tpu.memory_space<semaphore_mem>>) src(%dma_wait3A_100 : memref<50000x16xf32, #tpu.memory_space<vmem_shared>>) dst(%arg17 : memref<80x16xf32, #tpu.memory_space<vmem>>)
          tpu.yield
        }) : () -> ()
        "tpu.region"() ({
          %run_scoped3A = tpu.sem_alloc : memref<!tpu.dma_semaphore, #tpu.memory_space<semaphore_mem>>
          %dma_start3A = arith.constant 0 : i32
          %dma_start3A_97 = arith.constant 0 : i32
          %dma_start3A_98 = tpu.memref_slice %arg6[%dma_start3A, %dma_start3A_97] : memref<50000x16xf32, #tpu.memory_space<hbm>> -> memref<50000x16xf32, #tpu.memory_space<hbm>>
          tpu.enqueue_indirect_dma source(%arg17 : memref<80x16xf32, #tpu.memory_space<vmem>>) target(%dma_start3A_98 : memref<50000x16xf32, #tpu.memory_space<hbm>>) offsets(%arg14 : memref<80xi32, #tpu.memory_space<vmem>>) semaphore(%run_scoped3A : memref<!tpu.dma_semaphore, #tpu.memory_space<semaphore_mem>>)
          %dma_wait3A = arith.constant 0 : i32
          %dma_wait3A_99 = arith.constant 0 : i32
          %dma_wait3A_100 = tpu.memref_slice %arg6[%dma_wait3A, %dma_wait3A_99] : memref<50000x16xf32, #tpu.memory_space<hbm>> -> memref<50000x16xf32, #tpu.memory_space<hbm>>
          tpu.wait_indirect_dma semaphore(%run_scoped3A : memref<!tpu.dma_semaphore, #tpu.memory_space<semaphore_mem>>) src(%arg17 : memref<80x16xf32, #tpu.memory_space<vmem>>) dst(%dma_wait3A_100 : memref<50000x16xf32, #tpu.memory_space<hbm>>)
          tpu.yield
        }) : () -> ()
      }
      %scan3A_48 = arith.constant 40 : i32
      %mul3A_49 = arith.constant 1563 : i32
      %mul3A_50 = arith.muli %arg1, %mul3A_49 : i32
      %min3A_51 = arith.constant 23437 : i32
      %min3A_52 = arith.minsi %mul3A_50, %min3A_51 : i32
      %scan3A_53 = arith.constant 0 : i32
      %scan3A_54 = arith.constant 20 : i32
      %scan3A_55 = arith.addi %scan3A_53, %scan3A_54 : i32
      %scan3A_56 = arith.constant 1 : i32
      scf.for %scan3A_58 = %scan3A_53 to %scan3A_55 step %scan3A_56  : i32 {
        %mul3A_59 = arith.constant 1 : i32
        %mul3A_60 = arith.muli %scan3A_58, %mul3A_59 : i32
        %add3A_61 = arith.constant 0 : i32
        %add3A_62 = arith.addi %add3A_61, %mul3A_60 : i32
        %mul3A_63 = arith.constant 80 : i32
        %mul3A_64 = arith.muli %add3A_62, %mul3A_63 : i32
        %min3A_65 = arith.constant 1483 : i32
        %min3A_66 = arith.minsi %mul3A_64, %min3A_65 : i32
        %add3A_67 = arith.addi %min3A_52, %min3A_66 : i32
        %add3A_68 = arith.constant 0 : i32
        %add3A_69 = arith.addi %add3A_67, %add3A_68 : i32
        %add3A_70 = vector.broadcast %add3A_69 : i32 to vector<16xi32>
        %add3A_71 = arith.addi %iota3A, %add3A_70 : vector<16xi32>
        %swap3A = arith.constant 0 : index
        %swap3A_72 = tpu.vector_load %arg14[%swap3A] {strides = array<i32>} : memref<80xi32, #tpu.memory_space<vmem>>, vector<16xi32>,
        tpu.vector_store %arg14[%swap3A], %add3A_71 {strides = array<i32>} : memref<80xi32, #tpu.memory_space<vmem>>, vector<16xi32>,
        %add3A_73 = arith.constant 16 : i32
        %add3A_74 = arith.addi %add3A_67, %add3A_73 : i32
        %add3A_75 = vector.broadcast %add3A_74 : i32 to vector<16xi32>
        %add3A_76 = arith.addi %iota3A, %add3A_75 : vector<16xi32>
        %swap3A_77 = arith.constant 16 : index
        %swap3A_78 = tpu.vector_load %arg14[%swap3A_77] {strides = array<i32>} : memref<80xi32, #tpu.memory_space<vmem>>, vector<16xi32>,
        tpu.vector_store %arg14[%swap3A_77], %add3A_76 {strides = array<i32>} : memref<80xi32, #tpu.memory_space<vmem>>, vector<16xi32>,
        %add3A_79 = arith.constant 32 : i32
        %add3A_80 = arith.addi %add3A_67, %add3A_79 : i32
        %add3A_81 = vector.broadcast %add3A_80 : i32 to vector<16xi32>
        %add3A_82 = arith.addi %iota3A, %add3A_81 : vector<16xi32>
        %swap3A_83 = arith.constant 32 : index
        %swap3A_84 = tpu.vector_load %arg14[%swap3A_83] {strides = array<i32>} : memref<80xi32, #tpu.memory_space<vmem>>, vector<16xi32>,
        tpu.vector_store %arg14[%swap3A_83], %add3A_82 {strides = array<i32>} : memref<80xi32, #tpu.memory_space<vmem>>, vector<16xi32>,
        %add3A_85 = arith.constant 48 : i32
        %add3A_86 = arith.addi %add3A_67, %add3A_85 : i32
        %add3A_87 = vector.broadcast %add3A_86 : i32 to vector<16xi32>
        %add3A_88 = arith.addi %iota3A, %add3A_87 : vector<16xi32>
        %swap3A_89 = arith.constant 48 : index
        %swap3A_90 = tpu.vector_load %arg14[%swap3A_89] {strides = array<i32>} : memref<80xi32, #tpu.memory_space<vmem>>, vector<16xi32>,
        tpu.vector_store %arg14[%swap3A_89], %add3A_88 {strides = array<i32>} : memref<80xi32, #tpu.memory_space<vmem>>, vector<16xi32>,
        %add3A_91 = arith.constant 64 : i32
        %add3A_92 = arith.addi %add3A_67, %add3A_91 : i32
        %add3A_93 = vector.broadcast %add3A_92 : i32 to vector<16xi32>
        %add3A_94 = arith.addi %iota3A, %add3A_93 : vector<16xi32>
        %swap3A_95 = arith.constant 64 : index
        %swap3A_96 = tpu.vector_load %arg14[%swap3A_95] {strides = array<i32>} : memref<80xi32, #tpu.memory_space<vmem>>, vector<16xi32>,
        tpu.vector_store %arg14[%swap3A_95], %add3A_94 {strides = array<i32>} : memref<80xi32, #tpu.memory_space<vmem>>, vector<16xi32>,
        "tpu.region"() ({
          %run_scoped3A = tpu.sem_alloc : memref<!tpu.dma_semaphore, #tpu.memory_space<semaphore_mem>>
          %dma_start3A = arith.constant 0 : i32
          %dma_start3A_97 = arith.constant 0 : i32
          %dma_start3A_98 = tpu.memref_slice %arg21[%dma_start3A, %dma_start3A_97] : memref<25000x16xf32, #tpu.memory_space<vmem_shared>> -> memref<25000x16xf32, #tpu.memory_space<vmem_shared>>
          tpu.enqueue_indirect_dma source(%dma_start3A_98 : memref<25000x16xf32, #tpu.memory_space<vmem_shared>>) target(%arg17 : memref<80x16xf32, #tpu.memory_space<vmem>>) offsets(%arg14 : memref<80xi32, #tpu.memory_space<vmem>>) semaphore(%run_scoped3A : memref<!tpu.dma_semaphore, #tpu.memory_space<semaphore_mem>>)
          %dma_wait3A = arith.constant 0 : i32
          %dma_wait3A_99 = arith.constant 0 : i32
          %dma_wait3A_100 = tpu.memref_slice %arg21[%dma_wait3A, %dma_wait3A_99] : memref<25000x16xf32, #tpu.memory_space<vmem_shared>> -> memref<25000x16xf32, #tpu.memory_space<vmem_shared>>
          tpu.wait_indirect_dma semaphore(%run_scoped3A : memref<!tpu.dma_semaphore, #tpu.memory_space<semaphore_mem>>) src(%dma_wait3A_100 : memref<25000x16xf32, #tpu.memory_space<vmem_shared>>) dst(%arg17 : memref<80x16xf32, #tpu.memory_space<vmem>>)
          tpu.yield
        }) : () -> ()
        "tpu.region"() ({
          %run_scoped3A = tpu.sem_alloc : memref<!tpu.dma_semaphore, #tpu.memory_space<semaphore_mem>>
          %dma_start3A = arith.constant 0 : i32
          %dma_start3A_97 = arith.constant 0 : i32
          %dma_start3A_98 = tpu.memref_slice %arg8[%dma_start3A, %dma_start3A_97] : memref<25000x16xf32, #tpu.memory_space<hbm>> -> memref<25000x16xf32, #tpu.memory_space<hbm>>
          tpu.enqueue_indirect_dma source(%arg17 : memref<80x16xf32, #tpu.memory_space<vmem>>) target(%dma_start3A_98 : memref<25000x16xf32, #tpu.memory_space<hbm>>) offsets(%arg14 : memref<80xi32, #tpu.memory_space<vmem>>) semaphore(%run_scoped3A : memref<!tpu.dma_semaphore, #tpu.memory_space<semaphore_mem>>)
          %dma_wait3A = arith.constant 0 : i32
          %dma_wait3A_99 = arith.constant 0 : i32
          %dma_wait3A_100 = tpu.memref_slice %arg8[%dma_wait3A, %dma_wait3A_99] : memref<25000x16xf32, #tpu.memory_space<hbm>> -> memref<25000x16xf32, #tpu.memory_space<hbm>>
          tpu.wait_indirect_dma semaphore(%run_scoped3A : memref<!tpu.dma_semaphore, #tpu.memory_space<semaphore_mem>>) src(%arg17 : memref<80x16xf32, #tpu.memory_space<vmem>>) dst(%dma_wait3A_100 : memref<25000x16xf32, #tpu.memory_space<hbm>>)
          tpu.yield
        }) : () -> ()
      }
      %scan3A_57 = arith.constant 20 : i32
    } else {
    }
    %eq3A_35 = arith.constant 1 : i32
    %eq3A_36 = arith.cmpi eq, %arg0, %eq3A_35 : i32
    %convert_element_type3A_37 = arith.extui %eq3A_36 : i1 to i32
    %cond3A_38 = arith.constant 0 : i32
    %cond3A_39 = arith.cmpi ne, %convert_element_type3A_37, %cond3A_38 : i32
    scf.if %cond3A_39 {
      %mul3A_40 = arith.constant 3125 : i32
      %mul3A_41 = arith.muli %arg1, %mul3A_40 : i32
      %min3A_42 = arith.constant 46875 : i32
      %min3A_43 = arith.minsi %mul3A_41, %min3A_42 : i32
      %scan3A_44 = arith.constant 0 : i32
      %scan3A_45 = arith.constant 40 : i32
      %scan3A_46 = arith.addi %scan3A_44, %scan3A_45 : i32
      %scan3A_47 = arith.constant 1 : i32
      scf.for %scan3A_58 = %scan3A_44 to %scan3A_46 step %scan3A_47  : i32 {
        %mul3A_59 = arith.constant 1 : i32
        %mul3A_60 = arith.muli %scan3A_58, %mul3A_59 : i32
        %add3A_61 = arith.constant 0 : i32
        %add3A_62 = arith.addi %add3A_61, %mul3A_60 : i32
        %mul3A_63 = arith.constant 80 : i32
        %mul3A_64 = arith.muli %add3A_62, %mul3A_63 : i32
        %min3A_65 = arith.constant 3045 : i32
        %min3A_66 = arith.minsi %mul3A_64, %min3A_65 : i32
        %add3A_67 = arith.addi %min3A_43, %min3A_66 : i32
        %add3A_68 = arith.constant 0 : i32
        %add3A_69 = arith.addi %add3A_67, %add3A_68 : i32
        %add3A_70 = vector.broadcast %add3A_69 : i32 to vector<16xi32>
        %add3A_71 = arith.addi %iota3A, %add3A_70 : vector<16xi32>
        %swap3A = arith.constant 0 : index
        %swap3A_72 = tpu.vector_load %arg14[%swap3A] {strides = array<i32>} : memref<80xi32, #tpu.memory_space<vmem>>, vector<16xi32>,
        tpu.vector_store %arg14[%swap3A], %add3A_71 {strides = array<i32>} : memref<80xi32, #tpu.memory_space<vmem>>, vector<16xi32>,
        %add3A_73 = arith.constant 16 : i32
        %add3A_74 = arith.addi %add3A_67, %add3A_73 : i32
        %add3A_75 = vector.broadcast %add3A_74 : i32 to vector<16xi32>
        %add3A_76 = arith.addi %iota3A, %add3A_75 : vector<16xi32>
        %swap3A_77 = arith.constant 16 : index
        %swap3A_78 = tpu.vector_load %arg14[%swap3A_77] {strides = array<i32>} : memref<80xi32, #tpu.memory_space<vmem>>, vector<16xi32>,
        tpu.vector_store %arg14[%swap3A_77], %add3A_76 {strides = array<i32>} : memref<80xi32, #tpu.memory_space<vmem>>, vector<16xi32>,
        %add3A_79 = arith.constant 32 : i32
        %add3A_80 = arith.addi %add3A_67, %add3A_79 : i32
        %add3A_81 = vector.broadcast %add3A_80 : i32 to vector<16xi32>
        %add3A_82 = arith.addi %iota3A, %add3A_81 : vector<16xi32>
        %swap3A_83 = arith.constant 32 : index
        %swap3A_84 = tpu.vector_load %arg14[%swap3A_83] {strides = array<i32>} : memref<80xi32, #tpu.memory_space<vmem>>, vector<16xi32>,
        tpu.vector_store %arg14[%swap3A_83], %add3A_82 {strides = array<i32>} : memref<80xi32, #tpu.memory_space<vmem>>, vector<16xi32>,
        %add3A_85 = arith.constant 48 : i32
        %add3A_86 = arith.addi %add3A_67, %add3A_85 : i32
        %add3A_87 = vector.broadcast %add3A_86 : i32 to vector<16xi32>
        %add3A_88 = arith.addi %iota3A, %add3A_87 : vector<16xi32>
        %swap3A_89 = arith.constant 48 : index
        %swap3A_90 = tpu.vector_load %arg14[%swap3A_89] {strides = array<i32>} : memref<80xi32, #tpu.memory_space<vmem>>, vector<16xi32>,
        tpu.vector_store %arg14[%swap3A_89], %add3A_88 {strides = array<i32>} : memref<80xi32, #tpu.memory_space<vmem>>, vector<16xi32>,
        %add3A_91 = arith.constant 64 : i32
        %add3A_92 = arith.addi %add3A_67, %add3A_91 : i32
        %add3A_93 = vector.broadcast %add3A_92 : i32 to vector<16xi32>
        %add3A_94 = arith.addi %iota3A, %add3A_93 : vector<16xi32>
        %swap3A_95 = arith.constant 64 : index
        %swap3A_96 = tpu.vector_load %arg14[%swap3A_95] {strides = array<i32>} : memref<80xi32, #tpu.memory_space<vmem>>, vector<16xi32>,
        tpu.vector_store %arg14[%swap3A_95], %add3A_94 {strides = array<i32>} : memref<80xi32, #tpu.memory_space<vmem>>, vector<16xi32>,
        "tpu.region"() ({
          %run_scoped3A = tpu.sem_alloc : memref<!tpu.dma_semaphore, #tpu.memory_space<semaphore_mem>>
          %dma_start3A = arith.constant 0 : i32
          %dma_start3A_97 = arith.constant 0 : i32
          %dma_start3A_98 = tpu.memref_slice %arg20[%dma_start3A, %dma_start3A_97] : memref<50000x16xf32, #tpu.memory_space<vmem_shared>> -> memref<50000x16xf32, #tpu.memory_space<vmem_shared>>
          tpu.enqueue_indirect_dma source(%dma_start3A_98 : memref<50000x16xf32, #tpu.memory_space<vmem_shared>>) target(%arg17 : memref<80x16xf32, #tpu.memory_space<vmem>>) offsets(%arg14 : memref<80xi32, #tpu.memory_space<vmem>>) semaphore(%run_scoped3A : memref<!tpu.dma_semaphore, #tpu.memory_space<semaphore_mem>>)
          %dma_wait3A = arith.constant 0 : i32
          %dma_wait3A_99 = arith.constant 0 : i32
          %dma_wait3A_100 = tpu.memref_slice %arg20[%dma_wait3A, %dma_wait3A_99] : memref<50000x16xf32, #tpu.memory_space<vmem_shared>> -> memref<50000x16xf32, #tpu.memory_space<vmem_shared>>
          tpu.wait_indirect_dma semaphore(%run_scoped3A : memref<!tpu.dma_semaphore, #tpu.memory_space<semaphore_mem>>) src(%dma_wait3A_100 : memref<50000x16xf32, #tpu.memory_space<vmem_shared>>) dst(%arg17 : memref<80x16xf32, #tpu.memory_space<vmem>>)
          tpu.yield
        }) : () -> ()
        "tpu.region"() ({
          %run_scoped3A = tpu.sem_alloc : memref<!tpu.dma_semaphore, #tpu.memory_space<semaphore_mem>>
          %dma_start3A = arith.constant 0 : i32
          %dma_start3A_97 = arith.constant 0 : i32
          %dma_start3A_98 = tpu.memref_slice %arg7[%dma_start3A, %dma_start3A_97] : memref<50000x16xf32, #tpu.memory_space<hbm>> -> memref<50000x16xf32, #tpu.memory_space<hbm>>
          tpu.enqueue_indirect_dma source(%arg17 : memref<80x16xf32, #tpu.memory_space<vmem>>) target(%dma_start3A_98 : memref<50000x16xf32, #tpu.memory_space<hbm>>) offsets(%arg14 : memref<80xi32, #tpu.memory_space<vmem>>) semaphore(%run_scoped3A : memref<!tpu.dma_semaphore, #tpu.memory_space<semaphore_mem>>)
          %dma_wait3A = arith.constant 0 : i32
          %dma_wait3A_99 = arith.constant 0 : i32
          %dma_wait3A_100 = tpu.memref_slice %arg7[%dma_wait3A, %dma_wait3A_99] : memref<50000x16xf32, #tpu.memory_space<hbm>> -> memref<50000x16xf32, #tpu.memory_space<hbm>>
          tpu.wait_indirect_dma semaphore(%run_scoped3A : memref<!tpu.dma_semaphore, #tpu.memory_space<semaphore_mem>>) src(%arg17 : memref<80x16xf32, #tpu.memory_space<vmem>>) dst(%dma_wait3A_100 : memref<50000x16xf32, #tpu.memory_space<hbm>>)
          tpu.yield
        }) : () -> ()
      }
      %scan3A_48 = arith.constant 40 : i32
      %mul3A_49 = arith.constant 1563 : i32
      %mul3A_50 = arith.muli %arg1, %mul3A_49 : i32
      %min3A_51 = arith.constant 23437 : i32
      %min3A_52 = arith.minsi %mul3A_50, %min3A_51 : i32
      %scan3A_53 = arith.constant 0 : i32
      %scan3A_54 = arith.constant 20 : i32
      %scan3A_55 = arith.addi %scan3A_53, %scan3A_54 : i32
      %scan3A_56 = arith.constant 1 : i32
      scf.for %scan3A_58 = %scan3A_53 to %scan3A_55 step %scan3A_56  : i32 {
        %mul3A_59 = arith.constant 1 : i32
        %mul3A_60 = arith.muli %scan3A_58, %mul3A_59 : i32
        %add3A_61 = arith.constant 0 : i32
        %add3A_62 = arith.addi %add3A_61, %mul3A_60 : i32
        %mul3A_63 = arith.constant 80 : i32
        %mul3A_64 = arith.muli %add3A_62, %mul3A_63 : i32
        %min3A_65 = arith.constant 1483 : i32
        %min3A_66 = arith.minsi %mul3A_64, %min3A_65 : i32
        %add3A_67 = arith.addi %min3A_52, %min3A_66 : i32
        %add3A_68 = arith.constant 0 : i32
        %add3A_69 = arith.addi %add3A_67, %add3A_68 : i32
        %add3A_70 = vector.broadcast %add3A_69 : i32 to vector<16xi32>
        %add3A_71 = arith.addi %iota3A, %add3A_70 : vector<16xi32>
        %swap3A = arith.constant 0 : index
        %swap3A_72 = tpu.vector_load %arg14[%swap3A] {strides = array<i32>} : memref<80xi32, #tpu.memory_space<vmem>>, vector<16xi32>,
        tpu.vector_store %arg14[%swap3A], %add3A_71 {strides = array<i32>} : memref<80xi32, #tpu.memory_space<vmem>>, vector<16xi32>,
        %add3A_73 = arith.constant 16 : i32
        %add3A_74 = arith.addi %add3A_67, %add3A_73 : i32
        %add3A_75 = vector.broadcast %add3A_74 : i32 to vector<16xi32>
        %add3A_76 = arith.addi %iota3A, %add3A_75 : vector<16xi32>
        %swap3A_77 = arith.constant 16 : index
        %swap3A_78 = tpu.vector_load %arg14[%swap3A_77] {strides = array<i32>} : memref<80xi32, #tpu.memory_space<vmem>>, vector<16xi32>,
        tpu.vector_store %arg14[%swap3A_77], %add3A_76 {strides = array<i32>} : memref<80xi32, #tpu.memory_space<vmem>>, vector<16xi32>,
        %add3A_79 = arith.constant 32 : i32
        %add3A_80 = arith.addi %add3A_67, %add3A_79 : i32
        %add3A_81 = vector.broadcast %add3A_80 : i32 to vector<16xi32>
        %add3A_82 = arith.addi %iota3A, %add3A_81 : vector<16xi32>
        %swap3A_83 = arith.constant 32 : index
        %swap3A_84 = tpu.vector_load %arg14[%swap3A_83] {strides = array<i32>} : memref<80xi32, #tpu.memory_space<vmem>>, vector<16xi32>,
        tpu.vector_store %arg14[%swap3A_83], %add3A_82 {strides = array<i32>} : memref<80xi32, #tpu.memory_space<vmem>>, vector<16xi32>,
        %add3A_85 = arith.constant 48 : i32
        %add3A_86 = arith.addi %add3A_67, %add3A_85 : i32
        %add3A_87 = vector.broadcast %add3A_86 : i32 to vector<16xi32>
        %add3A_88 = arith.addi %iota3A, %add3A_87 : vector<16xi32>
        %swap3A_89 = arith.constant 48 : index
        %swap3A_90 = tpu.vector_load %arg14[%swap3A_89] {strides = array<i32>} : memref<80xi32, #tpu.memory_space<vmem>>, vector<16xi32>,
        tpu.vector_store %arg14[%swap3A_89], %add3A_88 {strides = array<i32>} : memref<80xi32, #tpu.memory_space<vmem>>, vector<16xi32>,
        %add3A_91 = arith.constant 64 : i32
        %add3A_92 = arith.addi %add3A_67, %add3A_91 : i32
        %add3A_93 = vector.broadcast %add3A_92 : i32 to vector<16xi32>
        %add3A_94 = arith.addi %iota3A, %add3A_93 : vector<16xi32>
        %swap3A_95 = arith.constant 64 : index
        %swap3A_96 = tpu.vector_load %arg14[%swap3A_95] {strides = array<i32>} : memref<80xi32, #tpu.memory_space<vmem>>, vector<16xi32>,
        tpu.vector_store %arg14[%swap3A_95], %add3A_94 {strides = array<i32>} : memref<80xi32, #tpu.memory_space<vmem>>, vector<16xi32>,
        "tpu.region"() ({
          %run_scoped3A = tpu.sem_alloc : memref<!tpu.dma_semaphore, #tpu.memory_space<semaphore_mem>>
          %dma_start3A = arith.constant 0 : i32
          %dma_start3A_97 = arith.constant 0 : i32
          %dma_start3A_98 = tpu.memref_slice %arg21[%dma_start3A, %dma_start3A_97] : memref<25000x16xf32, #tpu.memory_space<vmem_shared>> -> memref<25000x16xf32, #tpu.memory_space<vmem_shared>>
          tpu.enqueue_indirect_dma source(%dma_start3A_98 : memref<25000x16xf32, #tpu.memory_space<vmem_shared>>) target(%arg17 : memref<80x16xf32, #tpu.memory_space<vmem>>) offsets(%arg14 : memref<80xi32, #tpu.memory_space<vmem>>) semaphore(%run_scoped3A : memref<!tpu.dma_semaphore, #tpu.memory_space<semaphore_mem>>)
          %dma_wait3A = arith.constant 0 : i32
          %dma_wait3A_99 = arith.constant 0 : i32
          %dma_wait3A_100 = tpu.memref_slice %arg21[%dma_wait3A, %dma_wait3A_99] : memref<25000x16xf32, #tpu.memory_space<vmem_shared>> -> memref<25000x16xf32, #tpu.memory_space<vmem_shared>>
          tpu.wait_indirect_dma semaphore(%run_scoped3A : memref<!tpu.dma_semaphore, #tpu.memory_space<semaphore_mem>>) src(%dma_wait3A_100 : memref<25000x16xf32, #tpu.memory_space<vmem_shared>>) dst(%arg17 : memref<80x16xf32, #tpu.memory_space<vmem>>)
          tpu.yield
        }) : () -> ()
        "tpu.region"() ({
          %run_scoped3A = tpu.sem_alloc : memref<!tpu.dma_semaphore, #tpu.memory_space<semaphore_mem>>
          %dma_start3A = arith.constant 0 : i32
          %dma_start3A_97 = arith.constant 0 : i32
          %dma_start3A_98 = tpu.memref_slice %arg9[%dma_start3A, %dma_start3A_97] : memref<25000x16xf32, #tpu.memory_space<hbm>> -> memref<25000x16xf32, #tpu.memory_space<hbm>>
          tpu.enqueue_indirect_dma source(%arg17 : memref<80x16xf32, #tpu.memory_space<vmem>>) target(%dma_start3A_98 : memref<25000x16xf32, #tpu.memory_space<hbm>>) offsets(%arg14 : memref<80xi32, #tpu.memory_space<vmem>>) semaphore(%run_scoped3A : memref<!tpu.dma_semaphore, #tpu.memory_space<semaphore_mem>>)
          %dma_wait3A = arith.constant 0 : i32
          %dma_wait3A_99 = arith.constant 0 : i32
          %dma_wait3A_100 = tpu.memref_slice %arg9[%dma_wait3A, %dma_wait3A_99] : memref<25000x16xf32, #tpu.memory_space<hbm>> -> memref<25000x16xf32, #tpu.memory_space<hbm>>
          tpu.wait_indirect_dma semaphore(%run_scoped3A : memref<!tpu.dma_semaphore, #tpu.memory_space<semaphore_mem>>) src(%arg17 : memref<80x16xf32, #tpu.memory_space<vmem>>) dst(%dma_wait3A_100 : memref<25000x16xf32, #tpu.memory_space<hbm>>)
          tpu.yield
        }) : () -> ()
      }
      %scan3A_57 = arith.constant 20 : i32
    } else {
    }
    return
  }
}

</mosaic_0001>

<sc_bundles>
// kernel: kernel.4.cloned.1.call-start
scs
__scs_entry_jumppad:
0x0: {  	(pc) =	sbr.rel $0x88, $3  }
0x1: {  	(tag) =	ssettag $0x0;
	lr =	simm.s32 $0x1  }
0x2: {  	[smem:$0x3F95] =	sst lr;
	_ =	strace $0xD0000000  }
0x3: {  	_ = 	snop  }
0x4: {  	_ = 	snop  }
0x5: {  	_ = 	snop  }
0x6: {  	_ = 	snop  }
0x7: {  	_ = 	snop  }
__scs_overlays_trampoline_lowered:
0x8: {  	[smem:$0x3FA4] =	sst s0  }
0x9: {  	[smem:$0x3FA5] =	sst s1  }
0xa: {  	[smem:$0x3FA6] =	sst s2  }
0xb: {  	[smem:$0x3FA7] =	sst s3  }
0xc: {  	[smem:$0x3FA8] =	sst s4  }
0xd: {  	[smem:$0x3FA9] =	sst s5  }
0xe: {  	[smem:$0x3FAA] =	sst s6  }
0xf: {  	[smem:$0x3FAB] =	sst s7  }
0x10: {  	[smem:$0x3FAC] =	sst s8  }
0x11: {  	[smem:$0x3FAD] =	sst s9;
	s0 =	simm.s32 @!p0 $0x0  }
0x12: {  	s1 =	sld [smem:$0x3F93];
	s0 =	simm.s32 @p0 $0x1  }
0x13: {  	[smem:$0x3FAE] =	sst s0;
	s0 =	simm.s32 @!p1 $0x0  }
0x14: {  	s2 =	sld [smem:$0x3F92];
	s0 =	simm.s32 @p1 $0x1  }
0x15: {  	[smem:$0x3FAF] =	sst s0;
	s0 =	simm.s32 @!p2 $0x0  }
0x16: {  	s3 =	sld [smem:$0x3FDB];
	s0 =	simm.s32 @p2 $0x1  }
0x17: {  	s4 =	simm.s32 $0x1BF5;
	[smem:$0x3FB1] =	sst s0  }
0x18: {  	s0 =	sld [smem:$0x3F94];
	_ =	swait.ge [sflag:s4], $0x0  }
0x19: {  	s7 =	sld [smem:$0x3F95]  }
0x1a: {  	s8 =	sadd.s32 $0xFFFFE003, lr  }
0x1b: {  	s9 =	sadd.s32 $0xFFFFFEF7, lr;
	s5 =	simm.s32 $0xFFFFFFFF;
	p2 =	slt.u32 s8, $0xFFFFF086  }
0x1c: {  	p1 =	slt.u32 s9, $0xF7A;
	s5 =	simm.s32 @!p2 $0x0  }
0x1d: {  	s5 =	simm.s32 @p1 $0x1;
	p0 =	seq.s32 s7, s2  }
0x1e: {  	s7 =	smul.u32 @!p0 $0xF7A, s2;
	p2 =	seq.s32 @!p0 s5, $0x0  }
0x1f: {  	s9 =	smul.u32 $0xF7A, s1;
	s8 =	simm.s32 @!p0 $0x1BF5;
	p2 =	por !p2, p0  }
0x20: {  	[sflag:s8] =	ssyncset.s32 @!p0 $0xFFFFF086;
	s6 =	sadd.s32 @!p0 s3, s7;
	s7 =	simm.s32 @!p0 $0x108  }
0x21: {  	s3 =	sadd.s32 s3, s9;
	s6 =	sadd.s32 @!p0 $0x88, s6;
	s7 =	simm.s32 @p2 $0x1082  }
0x22: {  	[simem:s7], [sflag:s8] =	dma.local @!p0 [hbm:s6], $0xF7A  }
0x23: {  	s9 =	sor.u32 $0xD0000000, s2;
	s6 =	simm.s32 $0x108;
	_ =	swait.ge @!p0 [sflag:s8], $0x0  }
0x24: {  	s3 =	sadd.s32 $0x88, s3;
	s6 =	simm.s32 @!p1 $0x1082;
	[sflag:s4] =	ssyncset.s32 $0xFFFFF086  }
0x25: {  	[simem:s6], [sflag:s4] =	dma.local [hbm:s3], $0xF7A  }
0x26: {  	[smem:$0x3F95] =	sst s1;
	(tag) =	ssettag s2;
	_ =	strace s9  }
0x27: {  	s1 =	sld [smem:$0x3FA5]  }
0x28: {  	s2 =	sld [smem:$0x3FA6]  }
0x29: {  	s4 =	sld [smem:$0x3FA8]  }
0x2a: {  	p0 =	seq.s32 s5, $0x0;
	s5 =	sld [smem:$0x3FA9]  }
0x2b: {  	s6 =	sld [smem:$0x3FAA]  }
0x2c: {  	s7 =	sld [smem:$0x3FAB]  }
0x2d: {  	s3 =	simm.s32 $0x108;
	s8 =	sld [smem:$0x3FAC]  }
0x2e: {  	s3 =	simm.s32 @!p0 $0x1082;
	s9 =	sld [smem:$0x3FAD]  }
0x2f: {  	lr =	sadd.s32 s0, s3;
	s0 =	sld [smem:$0x3FA4]  }
0x30: {  	s3 =	sld [smem:$0x3FA7]  }
0x31: {  	[smem:$0x3FB0] =	sst s10  }
0x32: {  	s10 =	sld [smem:$0x3FAE];
	_ =	sdelay $0x3  }
0x33: {  	p0 =	seq.s32 s10, $0x1;
	s10 =	sld [smem:$0x3FB0];
	_ =	sdelay $0x3  }
0x34: {  	[smem:$0x3FB0] =	sst s10  }
0x35: {  	s10 =	sld [smem:$0x3FAF];
	_ =	sdelay $0x3  }
0x36: {  	p1 =	seq.s32 s10, $0x1;
	s10 =	sld [smem:$0x3FB0];
	_ =	sdelay $0x3  }
0x37: {  	[smem:$0x3FB0] =	sst s10  }
0x38: {  	s10 =	sld [smem:$0x3FB1]  }
0x39: {  	_ = 	snop;
	(pc) =	sbr.ind lr, $3  }
0x3a: {  	_ = 	snop  }
0x3b: {  	_ = 	snop  }
0x3c: {  	p2 =	seq.s32 s10, $0x1;
	s10 =	sld [smem:$0x3FB0]  }
0x3d: {  	_ =	shalt  }
0x3e: {  	_ =	shalt  }
0x3f: {  	_ =	shalt  }
0x40: {  	_ =	shalt  }
0x41: {  	_ =	shalt  }
0x42: {  	_ =	shalt  }
0x43: {  	_ =	shalt  }
0x44: {  	_ =	shalt  }
0x45: {  	_ =	shalt  }
0x46: {  	_ =	shalt  }
0x47: {  	_ =	shalt  }
0x48: {  	_ =	shalt  }
0x49: {  	_ =	shalt  }
0x4a: {  	_ =	shalt  }
0x4b: {  	_ =	shalt  }
0x4c: {  	_ =	shalt  }
0x4d: {  	_ =	shalt  }
0x4e: {  	_ =	shalt  }
0x4f: {  	_ =	shalt  }
0x50: {  	_ =	shalt  }
0x51: {  	_ =	shalt  }
0x52: {  	_ =	shalt  }
0x53: {  	_ =	shalt  }
0x54: {  	_ =	shalt  }
0x55: {  	_ =	shalt  }
0x56: {  	_ =	shalt  }
0x57: {  	_ =	shalt  }
0x58: {  	_ =	shalt  }
0x59: {  	_ =	shalt  }
0x5a: {  	_ =	shalt  }
0x5b: {  	_ =	shalt  }
0x5c: {  	_ =	shalt  }
0x5d: {  	_ =	shalt  }
0x5e: {  	_ =	shalt  }
0x5f: {  	_ =	shalt  }
0x60: {  	_ =	shalt  }
0x61: {  	_ =	shalt  }
0x62: {  	_ =	shalt  }
0x63: {  	_ =	shalt  }
0x64: {  	_ =	shalt  }
0x65: {  	_ =	shalt  }
0x66: {  	_ =	shalt  }
0x67: {  	_ =	shalt  }
0x68: {  	_ =	shalt  }
0x69: {  	_ =	shalt  }
0x6a: {  	_ =	shalt  }
0x6b: {  	_ =	shalt  }
0x6c: {  	_ =	shalt  }
0x6d: {  	_ =	shalt  }
0x6e: {  	_ =	shalt  }
0x6f: {  	_ =	shalt  }
0x70: {  	_ =	shalt  }
0x71: {  	_ =	shalt  }
0x72: {  	_ =	shalt  }
0x73: {  	_ =	shalt  }
0x74: {  	_ =	shalt  }
0x75: {  	_ =	shalt  }
0x76: {  	_ =	shalt  }
0x77: {  	_ =	shalt  }
0x78: {  	_ =	shalt  }
0x79: {  	_ =	shalt  }
0x7a: {  	_ =	shalt  }
0x7b: {  	_ =	shalt  }
0x7c: {  	_ =	shalt  }
0x7d: {  	_ =	shalt  }
0x7e: {  	_ =	shalt  }
0x7f: {  	_ =	shalt  }
0x80: {  	_ =	shalt  }
0x81: {  	_ =	shalt  }
0x82: {  	_ =	shalt  }
0x83: {  	_ =	shalt  }
0x84: {  	_ =	shalt  }
0x85: {  	_ =	shalt  }
0x86: {  	_ =	shalt  }
0x87: {  	_ =	shalt  }
.Lfunc_end0:
.L_simem_size_0:
called_computation_lowered:
.L_overlay_start_0:
0x88: {  	s2 =	sld [smem:$0x3FD9]  }
0x89: {  	s3 =	sld [smem:$0x3FFE];
	_ =	sdelay $0x1  }
0x8a: {  	s1 =	srdreg.scid  }
0x8b: {  	s0 =	sand.u32 $0x1, s1  }
0x8c: {  	s16 =	sshll.u32 s0, $0xA;
	s2 =	sadd.s32 s3, s2  }
0x8d: {  	s2 =	sadd.s32 s2, s16  }
0x8e: {  	[smem:$0x3FBC] =	sst s2  }
0x8f: {  	_ = 	snop  }
0x90: {  	(tm) =	ssettm $0x1  }
0x91: {  	s17 =	sld [smem:$0x3FFB];
	_ =	sdelay $0x3  }
0x92: {  	_ =	strace s17  }
0x93: {  	s2 =	sld [smem:$0x3FFC];
	_ =	sdelay $0x3  }
0x94: {  	_ =	strace s2  }
0x95: {  	s2 =	sld [smem:$0x3FFD];
	_ =	sdelay $0x3  }
0x96: {  	_ =	strace s2  }
0x97: {  	_ =	strace $0x8FFFFFFF  }
0x98: {  	s18 =	sld [smem:$0x3FDB];
	_ =	sdelay $0x1  }
0x99: {  	s19 =	simm.s32 $_scs_section_size  }
0x9a: {  	s4 =	simm.s32 $_size__tile_overlayer_lowered;
	s5 =	simm.s32 $_tile_overlayer_lowered  }
0x9b: {  	s22 =	simm.s32 $0x1BFF;
	s21 =	sshll.u32 s5, $0x1;
	s2 =	sadd.s32 s19, s18  }
0x9c: {  	s6 =	simm.s32 $0x0;
	s20 =	sshll.u32 s4, $0x1;
	s4 =	sadd.s32 s21, s2  }
0x9d: {  	[timem:s6], [sflag:s22] =	dma.local [hbm:s4], s20  }
0x9e: {  	_ =	swait.ge [sflag:s22], s20  }
0x9f: {  	s3 =	ssub.s32 $0x0, s20;
	[sflag:s22] =	ssyncset.done $0x0  }
0xa0: {  	[sflag:s22] =	ssyncadd.s32 s3;
	_ =	sdelay $0x1  }
0xa1: {  	s23 =	simm.s32 $0x1B8B  }
0xa2: {  	_ =	swait.ge [sflag:s23], $0x1  }
0xa3: {  	[sflag:s23] =	ssyncset.done $0x0  }
0xa4: {  	s25 =	simm.s32 $0x1B8E;
	s24 =	sld [smem:$0x3FFE];
	[sflag:s23] =	ssyncadd.s32 $0xFFFFFFFF  }
0xa5: {  	s26 =	simm.s32 $execute0_lowered;
	[smem:$0x3FD2] =	sst s25  }
0xa6: {  	s4 =	sshll.u32 s26, $0x1;
	_ =	strace $0x80000046;
	[dreg:$0x1] =	wrdreg $0xFFFFFFFF  }
0xa7: {  	s28 =	simm.s32 $_size_execute0_lowered;
	s2 =	sadd.s32 s2, s4;
	[dreg:$0x0] =	wrdreg $0x0  }
0xa8: {  	s4 =	sshll.u32 s28, $0x1;
	[dreg:$0x2] =	wrdreg s2  }
0xa9: {  	[dreg:$0x3] =	wrdreg s4  }
0xaa: {  	[dreg:$0x4] =	wrdreg $0xC0  }
0xab: {  	_ =	task [dreg:s6], $0x5FFFF  }
0xac: {  	[dreg:$0x1] =	wrdreg $0xFFFFFFFF  }
0xad: {  	[dreg:$0x0] =	wrdreg $0x60  }
0xae: {  	[dreg:$0x2] =	wrdreg s24  }
0xaf: {  	[dreg:$0x3] =	wrdreg $0x15500  }
0xb0: {  	[dreg:$0x4] =	wrdreg $0x19BF00  }
0xb1: {  	[dreg:$0x5] =	wrdreg $0x9  }
0xb2: {  	_ =	task.clear_ibuf [dreg:s6], $0x6FFFF;
	_ =	strace $0x90000046  }
0xb3: {  	s29 =	simm.s32 $0x9;
	_ =	strace $0x80000048  }
0xb4: {  	_ =	swait.ge [sflag:s29], $0x1  }
0xb5: {  	[sflag:s29] =	ssyncadd.s32 $0xFFFFFFFF  }
0xb6: {  	_ =	strace $0x90000048  }
0xb7: {  	_ =	sfence  }
0xb8: {  	s30 =	sld [smem:$0x0];
	_ =	sdelay $0x2  }
0xb9: {  	s31 =	sshll.u32 s1, $0xD;
	s1 =	sshrl.u32 s1, $0x2  }
0xba: {  	s3 =	sand.u32 $0x4000, s31;
	s1 =	sadd.s32 s1, s30  }
0xbb: {  	s0 =	sor.u32 s3, s0;
	s1 =	sshll.u32 s1, $0x11  }
0xbc: {  	s0 =	sor.u32 s1, s0  }
0xbd: {  	s0 =	sadd.s32 $0x8F2B, s0  }
0xbe: {  	[sflag:s0] =	ssyncadd.remote.s32 $0x1  }
0xbf: {  	_ =	sfence.sel $0xFFFF  }
0xc0: {  	[dreg:$0x0] =	wrdreg $0xFFFFFFFF;
	(pc) =	sbr.abs _section_cstart, $3  }
0xc1: {  	[dreg:$0x1] =	wrdreg $0xFFFFFFFF  }
0xc2: {  	_ =	task.clear_ibuf [dreg:s6], $0x2FFFF;
	_ =	strace $0x9FFFFFFF  }
0xc3: {  	(tm) =	ssettm $0x7FFFFFFF  }
tec
execute0_lowered:
.L_overlay_start_1:
0x0: {  	(tag) =	ssettag $0x1  }
0x1: {  	s0 =	rddreg [dreg:$0x0]  }
0x2: {  	s1 =	rddreg [dreg:$0x1]  }
0x3: {  	s2 =	rddreg [dreg:$0x2];
	s7 =	simm.s32 $0x0  }
0x4: {  	s28 =	srdreg.scid;
	s9 =	stileid.u32;
	s17 =	simm.s32 $0x50  }
0x5: {  	s18 =	simm.s32 $0xF0;
	s19 =	simm.s32 $0xB40;
	s20 =	simm.s32 $0x3  }
0x6: {  	s21 =	simm.s32 $0x1;
	s22 =	simm.s32 $0x2;
	s23 =	simm.s32 $0x140  }
0x7: {  	[smem:$0x7FF] =	sst s7;
	s3 =	sadd.s32 $0x497200, s0;
	s24 =	sadd.s32 $0x65000, s0  }
0x8: {  	s29 =	simm.s32 $0x0;
	s8 =	sadd.s32 $0x55A800, s0;
	s10 =	sadd.s32 $0x140E00, s0  }
0x9: {  	s25 =	sadd.s32 $0x3400, s0;
	s11 =	sadd.s32 $0x134A00, s0;
	s6 =	smul.u32 $0x61B, s9  }
0xa: {  	s26 =	sadd.s32 $0x34200, s0;
	s12 =	sadd.s32 $0x128600, s0;
	s13 =	smul.u32 $0x186A, s9  }
0xb: {  	_ =	strace $0x80000047;
	[dreg:$0x5] =	wrdreg s3;
	s3 =	sand.u32 $0x1, s28  }
0xc: {  	[dreg:$0x6] =	wrdreg s24;
	s30 =	ssub.s32 $0x2, s3;
	s5 =	sshll.u32 s3, $0x4  }
.Ltmp0:
0xd: {  	s4 =	sshrl.u32 s30, $0x1;
	s31 =	sor.u32 s9, s5;
	(pc) =	sbr.rel .LBB2_1-.Ltmp0, $4  }
0xe: {  	v0 =	vlaneseq.u32;
	[dreg:$0x7] =	wrdreg s25;
	s0 =	ssub.s32 s30, s4;
	s4 =	smul.u32 $0x30D40, s31  }
0xf: {  	v1 =	vand.u32 $0x3, v0;
	[dreg:$0x8] =	wrdreg s26;
	s24 =	simm.s32 $0x640;
	s25 =	simm.s32 $0x1040  }
0x10: {  	v2 =	vimm.f32 $0.0e+00;
	v3 =	vshrl.u32 v0, $0x2;
	v4 =	vor.u32 $0x4, v1;
	s26 =	simm.s32 $0x1540;
	s0 =	smax.u32 s0, $0x1;
	[dreg:$0x9] =	wrdreg s4  }
0x11: {  	v5 =	vor.u32 $0x4, v3;
	v6 =	vor.u32 $0x8, v3;
	v7 =	vor.u32 $0xC, v3;
	s14 =	smin.u32 s6, $0x5B8D;
	p0 =	seq.s32 s3, $0x1;
	[dreg:$0xa] =	wrdreg s0  }
.LBB2_24:
0x12: {  	s7 =	sadd.s32 $0x1, s7;
	s0 =	rddreg [dreg:$0xa]  }
0x13: {  	p1 =	sne.s32 s7, s0  }
.Ltmp1:
0x14: {  	_ = 	snop;
	(pc) =	sbr.rel @!p1 .LBB2_25-.Ltmp1, $1  }
0x15: {  	_ =	sdelay $0x3  }
.LBB2_1:
0x16: {  	s0 =	simm.s32 $0x40;
	s3 =	simm.s32 $0x0  }
.LBB2_2:
0x17: {  	p1 =	sne.s32 s0, $0x13C0;
	[tilespmem:s3+$0xB40] =	vst v2;
	s3 =	smov.u32 s0;
	s0 =	sadd.s32 $0x40, s0  }
.Ltmp2:
0x18: {  	(pc) =	sbr.rel @p1 .LBB2_2-.Ltmp2, $2  }
0x19: {  	_ =	sdelay $0x2  }
0x1a: {  	s3 =	sshra.s32 s3, $0x2  }
0x1b: {  	s0 =	simm.s32 $0x0  }
0x1c: {  	s4 =	smin.u32 s0, $0x181A  }
0x1d: {  	s4 =	sadd.s32 s13, s4  }
0x1e: {  	[tilespmem:s3+$0xB40] =	vst v2;
	v8 =	vadd.s32 s4, v0;
	s31 =	sadd.s32 $0x40, s4  }
0x1f: {  	s6 =	sadd.s32 $0x30, s4;
	[tilespmem:$0xF0] =	vst v8;
	v9 =	vadd.s32 s31, v0  }
0x20: {  	s3 =	simm.s32 $0x50;
	s5 =	sadd.s32 $0x20, s4;
	v8 =	vadd.s32 s6, v0;
	[tilespmem:$0x130] =	vst v9  }
.LBB2_4:
0x21: {  	p1 =	sne.s32 s3, $0x1860;
	s4 =	sadd.s32 $0x10, s4;
	v9 =	vadd.s32 s5, v0;
	[tilespmem:$0x120] =	vst v8  }
0x22: {  	v8 =	vadd.s32 s4, v0;
	[tilespmem:$0x110] =	vst v9  }
0x23: {  	[tilespmem:$0x100] =	vst v8;
	[spmem:s1] =	stream.indirect.scatter [tilespmem:s19], [sflag:$0x3], $0x10, s18, s17, $0xb8  }
.Ltmp3:
0x24: {  	s4 =	smin.u32 s3, $0x181A;
	_ =	swait.ge [sflag:s20], $0x500;
	(pc) =	sbr.rel @p1 .LBB2_4-.Ltmp3, $4  }
0x25: {  	s4 =	sadd.s32 s13, s4;
	[sflag:s20] =	ssyncset.done $0x0  }
0x26: {  	v8 =	vadd.s32 s4, v0;
	s5 =	sadd.s32 $0x40, s4;
	[sflag:s20] =	ssyncadd.s32 $0xFFFFFB00  }
0x27: {  	s6 =	sadd.s32 $0x30, s4;
	v9 =	vadd.s32 s5, v0;
	[tilespmem:$0xF0] =	vst v8  }
0x28: {  	s3 =	sadd.s32 $0x50, s3;
	s5 =	sadd.s32 $0x20, s4;
	v8 =	vadd.s32 s6, v0;
	[tilespmem:$0x130] =	vst v9  }
0x29: {  	s3 =	sadd.s32 $0x10, s4;
	v9 =	vadd.s32 s5, v0;
	[tilespmem:$0x120] =	vst v8  }
0x2a: {  	v8 =	vadd.s32 s3, v0;
	[tilespmem:$0x110] =	vst v9  }
0x2b: {  	[dreg:$0x4] =	wrdreg s7;
	[tilespmem:$0x100] =	vst v8  }
0x2c: {  	[spmem:s1] =	stream.indirect.scatter [tilespmem:s19], [sflag:$0x3], $0x10, s18, s17, $0xb8;
	[tilespmem:$0x1FD98] =	vst v63  }
0x2d: {  	s0 =	smin.u32 s0, $0x5CB;
	_ =	swait.ge [sflag:s20], $0x500  }
0x2e: {  	s3 =	sadd.s32 s14, s0;
	[sflag:s20] =	ssyncset.done $0x0  }
0x2f: {  	v8 =	vadd.s32 s3, v0;
	s0 =	sadd.s32 $0x40, s3;
	[sflag:s20] =	ssyncadd.s32 $0xFFFFFB00  }
0x30: {  	s31 =	sadd.s32 $0x30, s3;
	v9 =	vadd.s32 s0, v0;
	[tilespmem:$0xF0] =	vst v8  }
0x31: {  	s4 =	sadd.s32 $0x20, s3;
	s0 =	simm.s32 $0x50;
	v8 =	vadd.s32 s31, v0;
	[tilespmem:$0x130] =	vst v9  }
.LBB2_6:
0x32: {  	p1 =	sne.s32 s0, $0x5F0;
	s3 =	sadd.s32 $0x10, s3;
	v9 =	vadd.s32 s4, v0;
	[tilespmem:$0x120] =	vst v8  }
0x33: {  	v8 =	vadd.s32 s3, v0;
	[tilespmem:$0x110] =	vst v9  }
0x34: {  	[tilespmem:$0x100] =	vst v8;
	[spmem:s2] =	stream.indirect.scatter [tilespmem:s19], [sflag:$0x3], $0x10, s18, s17, $0xb8  }
.Ltmp4:
0x35: {  	s3 =	smin.u32 s0, $0x5CB;
	_ =	swait.ge [sflag:s20], $0x500;
	(pc) =	sbr.rel @p1 .LBB2_6-.Ltmp4, $4  }
0x36: {  	s3 =	sadd.s32 s14, s3;
	[sflag:s20] =	ssyncset.done $0x0  }
0x37: {  	v8 =	vadd.s32 s3, v0;
	s4 =	sadd.s32 $0x40, s3;
	[sflag:s20] =	ssyncadd.s32 $0xFFFFFB00  }
0x38: {  	s5 =	sadd.s32 $0x30, s3;
	v9 =	vadd.s32 s4, v0;
	[tilespmem:$0xF0] =	vst v8  }
0x39: {  	s0 =	sadd.s32 $0x50, s0;
	s4 =	sadd.s32 $0x20, s3;
	v8 =	vadd.s32 s5, v0;
	[tilespmem:$0x130] =	vst v9  }
0x3a: {  	s0 =	sadd.s32 $0x10, s3;
	v9 =	vadd.s32 s4, v0;
	[tilespmem:$0x120] =	vst v8  }
0x3b: {  	v8 =	vadd.s32 s0, v0;
	[tilespmem:$0x110] =	vst v9  }
0x3c: {  	[tilespmem:$0x100] =	vst v8  }
0x3d: {  	[spmem:s2] =	stream.indirect.scatter [tilespmem:s19], [sflag:$0x3], $0x10, s18, s17, $0xb8;
	[tilespmem:$0x1FD98] =	vst v63  }
0x3e: {  	_ =	swait.ge [sflag:s20], $0x500  }
0x3f: {  	[sflag:s20] =	ssyncset.done $0x0  }
0x40: {  	[sflag:s20] =	ssyncadd.s32 $0xFFFFFB00  }
0x41: {  	s30 =	simm.s32 $0x0;
	[bflag:$0x0] =	sbarrier.arrive $0xFFFF  }
.LBB2_8:
0x42: {  	s0 =	smul.u32 $0x50, s30  }
0x43: {  	s3 =	rddreg [dreg:$0x9]  }
0x44: {  	s0 =	sadd.s32 s3, s0  }
0x45: {  	s15 =	rddreg [dreg:$0x5];
	s0 =	sshrl.u32 s0, $0x3  }
0x46: {  	s16 =	rddreg [dreg:$0x6];
	s3 =	sadd.s32 s15, s0  }
0x47: {  	[tilespmem:s29], [sflag:$0x1] =	stream.linear.gather [hbm4b:s3+s29], $0x50, $0x38;
	[tilespmem:$0x1FD98] =	vst v63  }
0x48: {  	s0 =	sadd.s32 s16, s0  }
0x49: {  	[tilespmem:s17], [sflag:$0x2] =	stream.linear.gather [hbm4b:s0+s29], $0x50, $0x38;
	[tilespmem:$0x1FD98] =	vst v63  }
0x4a: {  	_ =	swait.ge [sflag:s21], $0x50  }
0x4b: {  	[sflag:s21] =	ssyncset.done $0x0  }
0x4c: {  	[sflag:s21] =	ssyncadd.s32 $0xFFFFFFB0  }
0x4d: {  	_ =	swait.ge [sflag:s22], $0x50  }
0x4e: {  	[sflag:s22] =	ssyncset.done $0x0  }
0x4f: {  	s28 =	rddreg [dreg:$0x7];
	[sflag:s22] =	ssyncadd.s32 $0xFFFFFFB0  }
0x50: {  	[tilespmem:s23], [sflag:$0x1] =	stream.indirect.gather [hbm4b:s28+s17], $0x10, s29, s17, $0xb8;
	[tilespmem:$0x1FD98] =	vst v63  }
0x51: {  	s31 =	rddreg [dreg:$0x8]  }
0x52: {  	[tilespmem:s24], [sflag:$0x2] =	stream.indirect.gather [hbm4b:s31+s17], $0x10, s17, s17, $0xb8;
	[tilespmem:$0x1FD98] =	vst v63  }
0x53: {  	v8 =	vld [tilespmem:$0x50]  }
0x54: {  	v9 =	vld [tilespmem:$0x60]  }
0x55: {  	v10 =	vld [tilespmem:$0x70]  }
0x56: {  	v11 =	vld [tilespmem:$0x80]  }
0x57: {  	v12 =	vld [tilespmem:$0x90]  }
0x58: {  	v8 =	vshra.s32 v8, $0x2  }
0x59: {  	[tilespmem:$0xA0] =	vst v8;
	v8 =	vshra.s32 v9, $0x2  }
0x5a: {  	[tilespmem:$0xB0] =	vst v8;
	v8 =	vshra.s32 v10, $0x2  }
0x5b: {  	[tilespmem:$0xC0] =	vst v8;
	v8 =	vshra.s32 v11, $0x2  }
0x5c: {  	[tilespmem:$0xD0] =	vst v8;
	v8 =	vshra.s32 v12, $0x2  }
0x5d: {  	[tilespmem:$0xE0] =	vst v8  }
0x5e: {  	_ =	swait.ge [sflag:s21], $0x500  }
0x5f: {  	[sflag:s21] =	ssyncset.done $0x0  }
0x60: {  	[sflag:s21] =	ssyncadd.s32 $0xFFFFFB00  }
0x61: {  	_ =	swait.ge [sflag:s22], $0x500  }
0x62: {  	[sflag:s22] =	ssyncset.done $0x0  }
0x63: {  	s0 =	simm.s32 $0x0;
	[sflag:s22] =	ssyncadd.s32 $0xFFFFFB00  }
.LBB2_9:
0x64: {  	p1 =	sne.s32 s0, $0x13C0  }
.Ltmp5:
0x65: {  	_ = 	snop;
	(pc) =	sbr.rel @p1 .LBB2_9-.Ltmp5, $3  }
0x66: {  	_ =	sdelay $0x1  }
0x67: {  	s3 =	sshra.s32 s0, $0x2  }
0x68: {  	s0 =	sadd.s32 $0x40, s0;
	[tilespmem:s3+$0x1040] =	vst v2  }
0x69: {  	s0 =	simm.s32 $0x0  }
0x6a: {  	v8 =	vor.u32 s0, v3  }
0x6b: {  	v9 =	vshll.u32 v8, $0x4  }
0x6c: {  	v10 =	vor.u32 v1, v9;
	_ =	sdelay $0x4  }
0x6d: {  	v11 =	vld.idx.msk [tilespmem:v10+s23+$0x0], $0xffff  }
0x6e: {  	v10 =	vld.idx.msk [tilespmem:v10+s24+$0x0], $0xffff;
	_ =	sdelay $0x4  }
0x6f: {  	v10 =	vadd.f32 v10, v11;
	_ =	sdelay $0x1  }
0x70: {  	v11 =	vmul.f32 $2.000000030e-01, v10;
	_ =	sdelay $0x1  }
0x71: {  	v10 =	vmax.f32 v10, v11  }
0x72: {  	v10 =	vmul.f32 $1.442695020e+00, v10;
	_ =	sdelay $0x1  }
0x73: {  	(erf) = vpow2.f32 v10;
	_ =	sdelay $0x8  }
0x74: {  	v10 =	vpop (erf)  }
0x75: {  	[tilespmem:$0x1540] =	vst v10  }
0x76: {  	v8 =	vld.idx.msk [tilespmem:v8+s17+$0x0], $0xffff;
	_ =	sdelay $0x4  }
0x77: {  	v8 =	vshll.u32 v8, $0x2  }
0x78: {  	v8 =	vor.u32 v1, v8  }
0x79: {  	v8 =	vand.u32 $0xF, v8  }
0x7a: {  	v11 =	vmov s0;
	v8 =	vor.u32 v9, v8  }
0x7b: {  	v9 =	vshll.u32 v11, $0x4  }
0x7c: {  	v9 =	vor.u32 v4, v9;
	_ =	sdelay $0x2  }
0x7d: {  	[tilespmem:v8+s25+$0x0] =	vst.idx.msk $0xffff, v10  }
0x7e: {  	v8 =	vld.idx.msk [tilespmem:v3+s26+$0x0], $0xffff  }
0x7f: {  	v9 =	vld.idx.msk [tilespmem:v9+s23+$0x0], $0xffff;
	_ =	sdelay $0x2  }
0x80: {  	s9 =	simm.s32 $0x10  }
0x81: {  	v10 =	vor.u32 s9, v4  }
0x82: {  	v8 =	vmul.f32 v9, v8  }
0x83: {  	s31 =	simm.s32 $0xB60  }
0x84: {  	[tilespmem:s31+$0xFFFFFFE0] =	vst v8  }
0x85: {  	v8 =	vld.idx.msk [tilespmem:v5+s26+$0x0], $0xffff  }
0x86: {  	v9 =	vld.idx.msk [tilespmem:v10+s23+$0x0], $0xffff;
	_ =	sdelay $0x2  }
0x87: {  	s15 =	simm.s32 $0x20  }
0x88: {  	v10 =	vor.u32 s15, v4  }
0x89: {  	v8 =	vmul.f32 v9, v8;
	_ =	sdelay $0x1  }
0x8a: {  	[tilespmem:s31+$0xFFFFFFF0] =	vst v8  }
0x8b: {  	v8 =	vld.idx.msk [tilespmem:v6+s26+$0x0], $0xffff  }
0x8c: {  	v9 =	vld.idx.msk [tilespmem:v10+s23+$0x0], $0xffff;
	_ =	sdelay $0x2  }
0x8d: {  	s16 =	simm.s32 $0x30  }
0x8e: {  	v11 =	vor.u32 s16, v4  }
0x8f: {  	v8 =	vmul.f32 v9, v8;
	_ =	sdelay $0x1  }
0x90: {  	[tilespmem:s31+$0x0] =	vst v8  }
0x91: {  	s28 =	simm.s32 $0xB;
	s3 =	simm.s32 $0x4;
	s0 =	simm.s32 $0x70;
	v10 =	vld.idx.msk [tilespmem:v7+s26+$0x0], $0xffff  }
0x92: {  	s16 =	simm.s32 $0x50;
	s9 =	simm.s32 $0x60;
	v9 =	vor.u32 s3, v3;
	v8 =	vmov s3;
	s3 =	simm.s32 $0xB60;
	v11 =	vld.idx.msk [tilespmem:v11+s23+$0x0], $0xffff  }
.LBB2_11:
0x93: {  	s5 =	sshll.u32 s28, $0x4  }
0x94: {  	v12 =	vshll.u32 v9, $0x4;
	s31 =	sadd.s32 $0x40, s31;
	s4 =	smov.u32 s28;
	s15 =	sadd.s32 $0x4, s28  }
0x95: {  	p1 =	sne.s32 s28, $0x4F;
	s7 =	sadd.s32 $0xFFFFFFE0, s5;
	s6 =	sadd.s32 $0xFFFFFFF0, s5;
	v13 =	vor.u32 v1, v12  }
0x96: {  	_ = 	snop  }
0x97: {  	v10 =	vmul.f32 v11, v10;
	_ =	sdelay $0x1  }
0x98: {  	[tilespmem:s3+$0x10] =	vst v10;
	s3 =	smov.u32 s31  }
0x99: {  	v10 =	vld.idx.msk [tilespmem:v13+s23+$0x0], $0xffff  }
0x9a: {  	v11 =	vld.idx.msk [tilespmem:v13+s24+$0x0], $0xffff;
	_ =	sdelay $0x5  }
0x9b: {  	v10 =	vadd.f32 v11, v10;
	_ =	sdelay $0x1  }
0x9c: {  	v11 =	vmul.f32 $2.000000030e-01, v10;
	_ =	sdelay $0x1  }
0x9d: {  	v10 =	vmax.f32 v10, v11  }
0x9e: {  	v10 =	vmul.f32 $1.442695020e+00, v10;
	_ =	sdelay $0x1  }
0x9f: {  	(erf) = vpow2.f32 v10;
	_ =	sdelay $0x8  }
0xa0: {  	v10 =	vpop (erf)  }
0xa1: {  	[tilespmem:$0x1540] =	vst v10  }
0xa2: {  	v9 =	vld.idx.msk [tilespmem:v9+s17+$0x0], $0xffff;
	_ =	sdelay $0x5  }
0xa3: {  	v9 =	vshll.u32 v9, $0x2  }
0xa4: {  	v9 =	vor.u32 v1, v9  }
0xa5: {  	v9 =	vand.u32 $0xF, v9  }
0xa6: {  	v8 =	vshll.u32 v8, $0x4;
	v9 =	vor.u32 v12, v9  }
0xa7: {  	v8 =	vor.u32 v4, v8;
	_ =	sdelay $0x3  }
0xa8: {  	[tilespmem:v9+s25+$0x0] =	vst.idx.msk $0xffff, v10  }
0xa9: {  	v9 =	vld.idx.msk [tilespmem:v3+s26+$0x0], $0xffff  }
0xaa: {  	v8 =	vld.idx.msk [tilespmem:v8+s23+$0x0], $0xffff;
	_ =	sdelay $0x3  }
0xab: {  	v10 =	vor.u32 s16, v4;
	s16 =	smov.u32 s7;
	_ =	sdelay $0x1  }
0xac: {  	v8 =	vmul.f32 v8, v9;
	_ =	sdelay $0x1  }
0xad: {  	[tilespmem:s31+$0xFFFFFFE0] =	vst v8  }
0xae: {  	v8 =	vld.idx.msk [tilespmem:v5+s26+$0x0], $0xffff  }
0xaf: {  	v9 =	vld.idx.msk [tilespmem:v10+s23+$0x0], $0xffff;
	_ =	sdelay $0x3  }
0xb0: {  	v10 =	vor.u32 s9, v4;
	s9 =	smov.u32 s6;
	_ =	sdelay $0x1  }
0xb1: {  	v8 =	vmul.f32 v9, v8;
	_ =	sdelay $0x1  }
0xb2: {  	[tilespmem:s31+$0xFFFFFFF0] =	vst v8  }
0xb3: {  	v8 =	vld.idx.msk [tilespmem:v6+s26+$0x0], $0xffff  }
0xb4: {  	v9 =	vld.idx.msk [tilespmem:v10+s23+$0x0], $0xffff;
	_ =	sdelay $0x3  }
0xb5: {  	v11 =	vor.u32 s0, v4;
	s0 =	smov.u32 s5;
	_ =	sdelay $0x1  }
0xb6: {  	v8 =	vmul.f32 v9, v8;
	_ =	sdelay $0x1  }
.Ltmp6:
0xb7: {  	[tilespmem:s31+$0x0] =	vst v8;
	(pc) =	sbr.rel @p1 .LBB2_11-.Ltmp6, $4  }
0xb8: {  	v10 =	vld.idx.msk [tilespmem:v7+s26+$0x0], $0xffff  }
0xb9: {  	v11 =	vld.idx.msk [tilespmem:v11+s23+$0x0], $0xffff  }
0xba: {  	s4 =	sadd.s32 $0xFFFFFFFD, s4  }
0xbb: {  	s28 =	smov.u32 s15;
	v9 =	vor.u32 s4, v3;
	v8 =	vmov s4  }
0xbc: {  	v12 =	vshll.u32 v9, $0x4  }
0xbd: {  	v13 =	vor.u32 v1, v12;
	_ =	sdelay $0x1  }
0xbe: {  	v10 =	vmul.f32 v11, v10;
	_ =	sdelay $0x1  }
0xbf: {  	[tilespmem:s3+$0x10] =	vst v10  }
0xc0: {  	v10 =	vld.idx.msk [tilespmem:v13+s23+$0x0], $0xffff  }
0xc1: {  	v56 =	vld.idx.msk [tilespmem:v13+s24+$0x0], $0xffff;
	_ =	sdelay $0x4  }
0xc2: {  	v10 =	vadd.f32 v56, v10;
	_ =	sdelay $0x1  }
0xc3: {  	v11 =	vmul.f32 $2.000000030e-01, v10;
	_ =	sdelay $0x1  }
0xc4: {  	v10 =	vmax.f32 v10, v11  }
0xc5: {  	v10 =	vmul.f32 $1.442695020e+00, v10;
	_ =	sdelay $0x1  }
0xc6: {  	(erf) = vpow2.f32 v10;
	_ =	sdelay $0x8  }
0xc7: {  	v10 =	vpop (erf)  }
0xc8: {  	[tilespmem:$0x1540] =	vst v10  }
0xc9: {  	v57 =	vld.idx.msk [tilespmem:v9+s17+$0x0], $0xffff;
	_ =	sdelay $0x4  }
0xca: {  	v9 =	vshll.u32 v57, $0x2  }
0xcb: {  	v9 =	vor.u32 v1, v9  }
0xcc: {  	v9 =	vand.u32 $0xF, v9  }
0xcd: {  	v9 =	vor.u32 v12, v9  }
0xce: {  	v8 =	vshll.u32 v8, $0x4  }
0xcf: {  	v8 =	vor.u32 v4, v8;
	_ =	sdelay $0x2  }
0xd0: {  	[tilespmem:v9+s25+$0x0] =	vst.idx.msk $0xffff, v10  }
0xd1: {  	v9 =	vld.idx.msk [tilespmem:v3+s26+$0x0], $0xffff  }
0xd2: {  	v8 =	vld.idx.msk [tilespmem:v8+s23+$0x0], $0xffff;
	_ =	sdelay $0x3  }
0xd3: {  	v58 =	vor.u32 s16, v4  }
0xd4: {  	v8 =	vmul.f32 v8, v9  }
0xd5: {  	s28 =	sadd.s32 $0x40, s31  }
0xd6: {  	[tilespmem:s28+$0xFFFFFFE0] =	vst v8  }
0xd7: {  	v8 =	vld.idx.msk [tilespmem:v5+s26+$0x0], $0xffff  }
0xd8: {  	v59 =	vld.idx.msk [tilespmem:v58+s23+$0x0], $0xffff;
	_ =	sdelay $0x3  }
0xd9: {  	v60 =	vor.u32 s9, v4  }
0xda: {  	v8 =	vmul.f32 v59, v8;
	_ =	sdelay $0x1  }
0xdb: {  	[tilespmem:s28+$0xFFFFFFF0] =	vst v8  }
0xdc: {  	v8 =	vld.idx.msk [tilespmem:v6+s26+$0x0], $0xffff  }
0xdd: {  	v61 =	vld.idx.msk [tilespmem:v60+s23+$0x0], $0xffff;
	_ =	sdelay $0x3  }
0xde: {  	v62 =	vor.u32 s0, v4  }
0xdf: {  	v8 =	vmul.f32 v61, v8;
	_ =	sdelay $0x1  }
0xe0: {  	[tilespmem:s28+$0x0] =	vst v8  }
0xe1: {  	v8 =	vld.idx.msk [tilespmem:v7+s26+$0x0], $0xffff  }
0xe2: {  	v63 =	vld.idx.msk [tilespmem:v62+s23+$0x0], $0xffff;
	_ =	sdelay $0x4  }
0xe3: {  	v8 =	vmul.f32 v63, v8;
	_ =	sdelay $0x1  }
0xe4: {  	[tilespmem:s28+$0x10] =	vst v8  }
0xe5: {  	[spmem:s1] =	stream.indirect.scatter.add.f32 [tilespmem:s19], [sflag:$0x1], $0x10, s17, s17, $0xb8;
	[tilespmem:$0x1FD98] =	vst v63  }
0xe6: {  	s31 =	simm.s32 $0xA0;
	s30 =	sadd.s32 $0x1, s30  }
0xe7: {  	[spmem:s2] =	stream.indirect.scatter.add.f32 [tilespmem:s25], [sflag:$0x2], $0x10, s31, s17, $0xb8;
	[tilespmem:$0x1FD98] =	vst v63  }
0xe8: {  	p1 =	sne.s32 s30, $0x9C4;
	_ =	swait.ge [sflag:s21], $0x500  }
.Ltmp7:
0xe9: {  	[sflag:s21] =	ssyncset.done $0x0;
	(pc) =	sbr.rel @p1 .LBB2_8-.Ltmp7, $4  }
0xea: {  	[sflag:s21] =	ssyncadd.s32 $0xFFFFFB00  }
0xeb: {  	_ =	swait.ge [sflag:s22], $0x500  }
0xec: {  	[sflag:s22] =	ssyncset.done $0x0  }
0xed: {  	[sflag:s22] =	ssyncadd.s32 $0xFFFFFB00  }
.Ltmp8:
0xee: {  	(pc) =	sbr.rel @!p0 .LBB2_14-.Ltmp8, $4  }
0xef: {  	s0 =	simm.s32 $0x0  }
0xf0: {  	s3 =	smin.u32 s0, $0x181A  }
0xf1: {  	[bflag:$0x0] =	sbarrier.arrive $0xFFFF;
	s3 =	sadd.s32 s13, s3  }
0xf2: {  	v8 =	vadd.s32 s3, v0;
	s4 =	sadd.s32 $0x10, s3  }
0xf3: {  	[tilespmem:$0xF0] =	vst v8;
	v8 =	vadd.s32 s4, v0;
	s30 =	sadd.s32 $0x30, s3  }
0xf4: {  	s5 =	sadd.s32 $0x40, s3;
	[tilespmem:$0x100] =	vst v8;
	v8 =	vadd.s32 s30, v0  }
0xf5: {  	s31 =	sadd.s32 $0x20, s3;
	v9 =	vadd.s32 s5, v0;
	[tilespmem:$0x120] =	vst v8  }
0xf6: {  	v8 =	vadd.s32 s31, v0;
	[tilespmem:$0x130] =	vst v9  }
0xf7: {  	[tilespmem:$0x110] =	vst v8  }
0xf8: {  	[tilespmem:s19], [sflag:$0x3] =	stream.indirect.gather [spmem:s1], $0x10, s18, s17, $0xb8;
	[tilespmem:$0x1FD98] =	vst v63  }
0xf9: {  	_ =	swait.ge [sflag:s20], $0x500  }
0xfa: {  	[sflag:s20] =	ssyncset.done $0x0  }
0xfb: {  	s3 =	sadd.s32 $0x50, s0;
	s7 =	rddreg [dreg:$0x4];
	[sflag:s20] =	ssyncadd.s32 $0xFFFFFB00  }
.LBB2_20:
0xfc: {  	[hbm4b:s10+s17] =	stream.indirect.scatter [tilespmem:s19], [sflag:$0x3], $0x10, s18, s17, $0xb8;
	[tilespmem:$0x1FD98] =	vst v63  }
0xfd: {  	s4 =	smin.u32 s3, $0x181A;
	p1 =	sne.s32 s3, $0x1860;
	_ =	swait.ge [sflag:s20], $0x500  }
0xfe: {  	s3 =	sadd.s32 $0x50, s3;
	s4 =	sadd.s32 s13, s4;
	[sflag:s20] =	ssyncset.done $0x0  }
0xff: {  	v8 =	vadd.s32 s4, v0;
	s5 =	sadd.s32 $0x10, s4;
	s6 =	sadd.s32 $0x20, s4;
	[sflag:s20] =	ssyncadd.s32 $0xFFFFFB00  }
0x100: {  	v9 =	vadd.s32 s6, v0;
	[tilespmem:$0xF0] =	vst v8;
	v8 =	vadd.s32 s5, v0;
	s5 =	sadd.s32 $0x30, s4;
	s4 =	sadd.s32 $0x40, s4  }
0x101: {  	[tilespmem:$0x100] =	vst v8;
	v8 =	vadd.s32 s5, v0;
	v10 =	vadd.s32 s4, v0  }
0x102: {  	[tilespmem:$0x120] =	vst v8  }
0x103: {  	[tilespmem:$0x130] =	vst v10  }
.Ltmp9:
0x104: {  	[tilespmem:$0x110] =	vst v9;
	(pc) =	sbr.rel @p1 .LBB2_20-.Ltmp9, $4  }
0x105: {  	[tilespmem:s19], [sflag:$0x3] =	stream.indirect.gather [spmem:s1], $0x10, s18, s17, $0xb8;
	[tilespmem:$0x1FD98] =	vst v63  }
0x106: {  	_ =	swait.ge [sflag:s20], $0x500  }
0x107: {  	[sflag:s20] =	ssyncset.done $0x0  }
0x108: {  	[sflag:s20] =	ssyncadd.s32 $0xFFFFFB00  }
0x109: {  	[hbm4b:s10+s17] =	stream.indirect.scatter [tilespmem:s19], [sflag:$0x3], $0x10, s18, s17, $0xb8;
	[tilespmem:$0x1FD98] =	vst v63  }
0x10a: {  	s0 =	smin.u32 s0, $0x5CB;
	_ =	swait.ge [sflag:s20], $0x500  }
0x10b: {  	s0 =	sadd.s32 s14, s0;
	[sflag:s20] =	ssyncset.done $0x0  }
0x10c: {  	v8 =	vadd.s32 s0, v0;
	s4 =	sadd.s32 $0x40, s0;
	[sflag:s20] =	ssyncadd.s32 $0xFFFFFB00  }
0x10d: {  	s3 =	sadd.s32 $0x10, s0;
	v9 =	vadd.s32 s4, v0;
	[tilespmem:$0xF0] =	vst v8  }
0x10e: {  	s31 =	sadd.s32 $0x30, s0;
	v8 =	vadd.s32 s3, v0;
	[tilespmem:$0x130] =	vst v9  }
0x10f: {  	s0 =	sadd.s32 $0x20, s0;
	[tilespmem:$0x100] =	vst v8;
	v8 =	vadd.s32 s31, v0  }
0x110: {  	[tilespmem:$0x120] =	vst v8;
	v8 =	vadd.s32 s0, v0  }
0x111: {  	[tilespmem:$0x110] =	vst v8  }
0x112: {  	[tilespmem:s19], [sflag:$0x3] =	stream.indirect.gather [spmem:s2], $0x10, s18, s17, $0xb8;
	[tilespmem:$0x1FD98] =	vst v63  }
0x113: {  	_ =	swait.ge [sflag:s20], $0x500  }
0x114: {  	[sflag:s20] =	ssyncset.done $0x0  }
0x115: {  	s0 =	simm.s32 $0x50;
	[sflag:s20] =	ssyncadd.s32 $0xFFFFFB00  }
.LBB2_22:
0x116: {  	[hbm4b:s12+s17] =	stream.indirect.scatter [tilespmem:s19], [sflag:$0x3], $0x10, s18, s17, $0xb8;
	[tilespmem:$0x1FD98] =	vst v63  }
0x117: {  	s3 =	smin.u32 s0, $0x5CB;
	p1 =	sne.s32 s0, $0x5F0;
	_ =	swait.ge [sflag:s20], $0x500  }
0x118: {  	s0 =	sadd.s32 $0x50, s0;
	s3 =	sadd.s32 s14, s3;
	[sflag:s20] =	ssyncset.done $0x0  }
0x119: {  	v8 =	vadd.s32 s3, v0;
	s4 =	sadd.s32 $0x10, s3;
	s5 =	sadd.s32 $0x20, s3;
	[sflag:s20] =	ssyncadd.s32 $0xFFFFFB00  }
0x11a: {  	v9 =	vadd.s32 s5, v0;
	[tilespmem:$0xF0] =	vst v8;
	v8 =	vadd.s32 s4, v0;
	s4 =	sadd.s32 $0x30, s3;
	s3 =	sadd.s32 $0x40, s3  }
0x11b: {  	[tilespmem:$0x100] =	vst v8;
	v8 =	vadd.s32 s4, v0;
	v10 =	vadd.s32 s3, v0  }
0x11c: {  	[tilespmem:$0x120] =	vst v8  }
0x11d: {  	[tilespmem:$0x130] =	vst v10  }
.Ltmp10:
0x11e: {  	[tilespmem:$0x110] =	vst v9;
	(pc) =	sbr.rel @p1 .LBB2_22-.Ltmp10, $4  }
0x11f: {  	[tilespmem:s19], [sflag:$0x3] =	stream.indirect.gather [spmem:s2], $0x10, s18, s17, $0xb8;
	[tilespmem:$0x1FD98] =	vst v63  }
0x120: {  	_ =	swait.ge [sflag:s20], $0x500  }
0x121: {  	[sflag:s20] =	ssyncset.done $0x0  }
0x122: {  	[sflag:s20] =	ssyncadd.s32 $0xFFFFFB00  }
.Ltmp11:
0x123: {  	(pc) =	sbr.rel .LBB2_24-.Ltmp11, $4  }
0x124: {  	[hbm4b:s12+s17] =	stream.indirect.scatter [tilespmem:s19], [sflag:$0x3], $0x10, s18, s17, $0xb8;
	[tilespmem:$0x1FD98] =	vst v63  }
0x125: {  	_ =	swait.ge [sflag:s20], $0x500  }
0x126: {  	[sflag:s20] =	ssyncset.done $0x0  }
0x127: {  	[sflag:s20] =	ssyncadd.s32 $0xFFFFFB00  }
.LBB2_14:
0x128: {  	[tilespmem:$0xF0] =	vst v8;
	v8 =	vadd.s32 s4, v0;
	s30 =	sadd.s32 $0x30, s3  }
0x129: {  	s5 =	sadd.s32 $0x40, s3;
	[tilespmem:$0x100] =	vst v8;
	v8 =	vadd.s32 s30, v0  }
0x12a: {  	s31 =	sadd.s32 $0x20, s3;
	v9 =	vadd.s32 s5, v0;
	[tilespmem:$0x120] =	vst v8  }
0x12b: {  	v8 =	vadd.s32 s31, v0;
	[tilespmem:$0x130] =	vst v9  }
0x12c: {  	[tilespmem:$0x110] =	vst v8  }
0x12d: {  	[tilespmem:s19], [sflag:$0x3] =	stream.indirect.gather [spmem:s1], $0x10, s18, s17, $0xb8;
	[tilespmem:$0x1FD98] =	vst v63  }
0x12e: {  	_ =	swait.ge [sflag:s20], $0x500  }
0x12f: {  	[sflag:s20] =	ssyncset.done $0x0  }
0x130: {  	s3 =	sadd.s32 $0x50, s0;
	s7 =	rddreg [dreg:$0x4];
	[sflag:s20] =	ssyncadd.s32 $0xFFFFFB00  }
.LBB2_15:
0x131: {  	[hbm4b:s8+s17] =	stream.indirect.scatter [tilespmem:s19], [sflag:$0x3], $0x10, s18, s17, $0xb8;
	[tilespmem:$0x1FD98] =	vst v63  }
0x132: {  	s4 =	smin.u32 s3, $0x181A;
	p1 =	sne.s32 s3, $0x1860;
	_ =	swait.ge [sflag:s20], $0x500  }
0x133: {  	s3 =	sadd.s32 $0x50, s3;
	s4 =	sadd.s32 s13, s4;
	[sflag:s20] =	ssyncset.done $0x0  }
0x134: {  	v8 =	vadd.s32 s4, v0;
	s5 =	sadd.s32 $0x10, s4;
	s6 =	sadd.s32 $0x20, s4;
	[sflag:s20] =	ssyncadd.s32 $0xFFFFFB00  }
0x135: {  	v9 =	vadd.s32 s6, v0;
	[tilespmem:$0xF0] =	vst v8;
	v8 =	vadd.s32 s5, v0;
	s5 =	sadd.s32 $0x30, s4;
	s4 =	sadd.s32 $0x40, s4  }
0x136: {  	[tilespmem:$0x100] =	vst v8;
	v8 =	vadd.s32 s5, v0;
	v10 =	vadd.s32 s4, v0  }
0x137: {  	[tilespmem:$0x120] =	vst v8  }
0x138: {  	[tilespmem:$0x130] =	vst v10  }
.Ltmp12:
0x139: {  	[tilespmem:$0x110] =	vst v9;
	(pc) =	sbr.rel @p1 .LBB2_15-.Ltmp12, $4  }
0x13a: {  	[tilespmem:s19], [sflag:$0x3] =	stream.indirect.gather [spmem:s1], $0x10, s18, s17, $0xb8;
	[tilespmem:$0x1FD98] =	vst v63  }
0x13b: {  	_ =	swait.ge [sflag:s20], $0x500  }
0x13c: {  	[sflag:s20] =	ssyncset.done $0x0  }
0x13d: {  	[sflag:s20] =	ssyncadd.s32 $0xFFFFFB00  }
0x13e: {  	[hbm4b:s8+s17] =	stream.indirect.scatter [tilespmem:s19], [sflag:$0x3], $0x10, s18, s17, $0xb8;
	[tilespmem:$0x1FD98] =	vst v63  }
0x13f: {  	s0 =	smin.u32 s0, $0x5CB;
	_ =	swait.ge [sflag:s20], $0x500  }
0x140: {  	s0 =	sadd.s32 s14, s0;
	[sflag:s20] =	ssyncset.done $0x0  }
0x141: {  	v8 =	vadd.s32 s0, v0;
	s4 =	sadd.s32 $0x40, s0;
	[sflag:s20] =	ssyncadd.s32 $0xFFFFFB00  }
0x142: {  	s3 =	sadd.s32 $0x10, s0;
	v9 =	vadd.s32 s4, v0;
	[tilespmem:$0xF0] =	vst v8  }
0x143: {  	s31 =	sadd.s32 $0x30, s0;
	v8 =	vadd.s32 s3, v0;
	[tilespmem:$0x130] =	vst v9  }
0x144: {  	s0 =	sadd.s32 $0x20, s0;
	[tilespmem:$0x100] =	vst v8;
	v8 =	vadd.s32 s31, v0  }
0x145: {  	[tilespmem:$0x120] =	vst v8;
	v8 =	vadd.s32 s0, v0  }
0x146: {  	[tilespmem:$0x110] =	vst v8  }
0x147: {  	[tilespmem:s19], [sflag:$0x3] =	stream.indirect.gather [spmem:s2], $0x10, s18, s17, $0xb8;
	[tilespmem:$0x1FD98] =	vst v63  }
0x148: {  	_ =	swait.ge [sflag:s20], $0x500  }
0x149: {  	[sflag:s20] =	ssyncset.done $0x0  }
0x14a: {  	s0 =	simm.s32 $0x50;
	[sflag:s20] =	ssyncadd.s32 $0xFFFFFB00  }
.LBB2_17:
0x14b: {  	[hbm4b:s11+s17] =	stream.indirect.scatter [tilespmem:s19], [sflag:$0x3], $0x10, s18, s17, $0xb8;
	[tilespmem:$0x1FD98] =	vst v63  }
0x14c: {  	s3 =	smin.u32 s0, $0x5CB;
	p1 =	seq.s32 s0, $0x5F0;
	_ =	swait.ge [sflag:s20], $0x500  }
0x14d: {  	s0 =	sadd.s32 $0x50, s0;
	s3 =	sadd.s32 s14, s3;
	[sflag:s20] =	ssyncset.done $0x0  }
0x14e: {  	v8 =	vadd.s32 s3, v0;
	s4 =	sadd.s32 $0x10, s3;
	s5 =	sadd.s32 $0x20, s3;
	[sflag:s20] =	ssyncadd.s32 $0xFFFFFB00  }
0x14f: {  	v9 =	vadd.s32 s5, v0;
	[tilespmem:$0xF0] =	vst v8;
	v8 =	vadd.s32 s4, v0;
	s4 =	sadd.s32 $0x30, s3;
	s3 =	sadd.s32 $0x40, s3  }
0x150: {  	[tilespmem:$0x100] =	vst v8;
	v8 =	vadd.s32 s4, v0;
	v10 =	vadd.s32 s3, v0  }
0x151: {  	[tilespmem:$0x120] =	vst v8  }
0x152: {  	[tilespmem:$0x130] =	vst v10  }
.Ltmp13:
0x153: {  	[tilespmem:$0x110] =	vst v9;
	(pc) =	sbr.rel @!p1 .LBB2_17-.Ltmp13, $4  }
0x154: {  	[tilespmem:s19], [sflag:$0x3] =	stream.indirect.gather [spmem:s2], $0x10, s18, s17, $0xb8;
	[tilespmem:$0x1FD98] =	vst v63  }
0x155: {  	_ =	swait.ge [sflag:s20], $0x500  }
0x156: {  	[sflag:s20] =	ssyncset.done $0x0  }
0x157: {  	[sflag:s20] =	ssyncadd.s32 $0xFFFFFB00  }
.Ltmp14:
0x158: {  	(pc) =	sbr.rel .LBB2_24-.Ltmp14, $4  }
0x159: {  	[hbm4b:s11+s17] =	stream.indirect.scatter [tilespmem:s19], [sflag:$0x3], $0x10, s18, s17, $0xb8;
	[tilespmem:$0x1FD98] =	vst v63  }
0x15a: {  	_ =	swait.ge [sflag:s20], $0x500  }
0x15b: {  	[sflag:s20] =	ssyncset.done $0x0  }
0x15c: {  	[sflag:s20] =	ssyncadd.s32 $0xFFFFFB00  }
.LBB2_25:
0x15d: {  	_ =	sfence.sel $0x180000  }
0x15e: {  	[bflag:$0x0] =	sbarrier.arrive $0xFFFF  }
0x15f: {  	_ =	strace $0x90000047  }
0x160: {  	s0 =	stileid.u32;
	[bflag:$0x2] =	sbarrier.arrive $0xFFFF  }
0x161: {  	p0 =	sne.s32 s0, $0x0;
	s0 =	rddreg [dreg:$0x3]  }
0x162: {  	s0 =	sadd.s32 @!p0 $0x100000, s0  }
0x163: {  	[sflag:s0] =	ssyncadd.tile.s32 @!p0 $0x1;
	_ =	shalt  }
.Lfunc_end2:
_tile_overlayer_lowered:
.L_overlay_start_2:
0x164: {  	(tag) =	ssettag $0x2  }
0x165: {  	s0 =	rddreg [dreg:$0x0];
	s2 =	stileid.u32  }
0x166: {  	s1 =	rddreg [dreg:$0x1];
	p0 =	sne.s32 s2, $0x0  }
0x167: {  	s3 =	rddreg [dreg:$0x2];
	[bflag:$0x3] =	sbarrier.arrive $0xFFFF;
	s2 =	simm.s32 @!p0 $0x1C03  }
0x168: {  	[timem:s3], [sflag:s2] =	dma.local @!p0 [hbm:s0], s1  }
0x169: {  	s0 =	simm.s32 @!p0 $0x3  }
0x16a: {  	_ =	swait.ge @!p0 [sflag:s0], s1  }
0x16b: {  	s1 =	ssub.s32 @!p0 $0x0, s1;
	[sflag:s0] =	ssyncset.done @!p0 $0x0  }
0x16c: {  	[sflag:s0] =	ssyncadd.s32 @!p0 s1  }
0x16d: {  	[bflag:$0x3] =	sbarrier.arrive $0xFFFF  }
0x16e: {  	_ =	shalt  }

// kernel: kernel.7.cloned.1.call-start
scs
__scs_entry_jumppad:
0x0: {  	(pc) =	sbr.rel $0x88, $3  }
0x1: {  	(tag) =	ssettag $0x0;
	lr =	simm.s32 $0x1  }
0x2: {  	[smem:$0x3F95] =	sst lr;
	_ =	strace $0xD0000000  }
0x3: {  	_ = 	snop  }
0x4: {  	_ = 	snop  }
0x5: {  	_ = 	snop  }
0x6: {  	_ = 	snop  }
0x7: {  	_ = 	snop  }
__scs_overlays_trampoline_lowered:
0x8: {  	[smem:$0x3FA4] =	sst s0  }
0x9: {  	[smem:$0x3FA5] =	sst s1  }
0xa: {  	[smem:$0x3FA6] =	sst s2  }
0xb: {  	[smem:$0x3FA7] =	sst s3  }
0xc: {  	[smem:$0x3FA8] =	sst s4  }
0xd: {  	[smem:$0x3FA9] =	sst s5  }
0xe: {  	[smem:$0x3FAA] =	sst s6  }
0xf: {  	[smem:$0x3FAB] =	sst s7  }
0x10: {  	[smem:$0x3FAC] =	sst s8  }
0x11: {  	[smem:$0x3FAD] =	sst s9;
	s0 =	simm.s32 @!p0 $0x0  }
0x12: {  	s1 =	sld [smem:$0x3F93];
	s0 =	simm.s32 @p0 $0x1  }
0x13: {  	[smem:$0x3FAE] =	sst s0;
	s0 =	simm.s32 @!p1 $0x0  }
0x14: {  	s2 =	sld [smem:$0x3F92];
	s0 =	simm.s32 @p1 $0x1  }
0x15: {  	[smem:$0x3FAF] =	sst s0;
	s0 =	simm.s32 @!p2 $0x0  }
0x16: {  	s3 =	sld [smem:$0x3FDB];
	s0 =	simm.s32 @p2 $0x1  }
0x17: {  	s4 =	simm.s32 $0x1BF5;
	[smem:$0x3FB1] =	sst s0  }
0x18: {  	s0 =	sld [smem:$0x3F94];
	_ =	swait.ge [sflag:s4], $0x0  }
0x19: {  	s7 =	sld [smem:$0x3F95]  }
0x1a: {  	s8 =	sadd.s32 $0xFFFFE003, lr  }
0x1b: {  	s9 =	sadd.s32 $0xFFFFFEF7, lr;
	s5 =	simm.s32 $0xFFFFFFFF;
	p2 =	slt.u32 s8, $0xFFFFF086  }
0x1c: {  	p1 =	slt.u32 s9, $0xF7A;
	s5 =	simm.s32 @!p2 $0x0  }
0x1d: {  	s5 =	simm.s32 @p1 $0x1;
	p0 =	seq.s32 s7, s2  }
0x1e: {  	s7 =	smul.u32 @!p0 $0xF7A, s2;
	p2 =	seq.s32 @!p0 s5, $0x0  }
0x1f: {  	s9 =	smul.u32 $0xF7A, s1;
	s8 =	simm.s32 @!p0 $0x1BF5;
	p2 =	por !p2, p0  }
0x20: {  	[sflag:s8] =	ssyncset.s32 @!p0 $0xFFFFF086;
	s6 =	sadd.s32 @!p0 s3, s7;
	s7 =	simm.s32 @!p0 $0x108  }
0x21: {  	s3 =	sadd.s32 s3, s9;
	s6 =	sadd.s32 @!p0 $0x88, s6;
	s7 =	simm.s32 @p2 $0x1082  }
0x22: {  	[simem:s7], [sflag:s8] =	dma.local @!p0 [hbm:s6], $0xF7A  }
0x23: {  	s9 =	sor.u32 $0xD0000000, s2;
	s6 =	simm.s32 $0x108;
	_ =	swait.ge @!p0 [sflag:s8], $0x0  }
0x24: {  	s3 =	sadd.s32 $0x88, s3;
	s6 =	simm.s32 @!p1 $0x1082;
	[sflag:s4] =	ssyncset.s32 $0xFFFFF086  }
0x25: {  	[simem:s6], [sflag:s4] =	dma.local [hbm:s3], $0xF7A  }
0x26: {  	[smem:$0x3F95] =	sst s1;
	(tag) =	ssettag s2;
	_ =	strace s9  }
0x27: {  	s1 =	sld [smem:$0x3FA5]  }
0x28: {  	s2 =	sld [smem:$0x3FA6]  }
0x29: {  	s4 =	sld [smem:$0x3FA8]  }
0x2a: {  	p0 =	seq.s32 s5, $0x0;
	s5 =	sld [smem:$0x3FA9]  }
0x2b: {  	s6 =	sld [smem:$0x3FAA]  }
0x2c: {  	s7 =	sld [smem:$0x3FAB]  }
0x2d: {  	s3 =	simm.s32 $0x108;
	s8 =	sld [smem:$0x3FAC]  }
0x2e: {  	s3 =	simm.s32 @!p0 $0x1082;
	s9 =	sld [smem:$0x3FAD]  }
0x2f: {  	lr =	sadd.s32 s0, s3;
	s0 =	sld [smem:$0x3FA4]  }
0x30: {  	s3 =	sld [smem:$0x3FA7]  }
0x31: {  	[smem:$0x3FB0] =	sst s10  }
0x32: {  	s10 =	sld [smem:$0x3FAE];
	_ =	sdelay $0x3  }
0x33: {  	p0 =	seq.s32 s10, $0x1;
	s10 =	sld [smem:$0x3FB0];
	_ =	sdelay $0x3  }
0x34: {  	[smem:$0x3FB0] =	sst s10  }
0x35: {  	s10 =	sld [smem:$0x3FAF];
	_ =	sdelay $0x3  }
0x36: {  	p1 =	seq.s32 s10, $0x1;
	s10 =	sld [smem:$0x3FB0];
	_ =	sdelay $0x3  }
0x37: {  	[smem:$0x3FB0] =	sst s10  }
0x38: {  	s10 =	sld [smem:$0x3FB1]  }
0x39: {  	_ = 	snop;
	(pc) =	sbr.ind lr, $3  }
0x3a: {  	_ = 	snop  }
0x3b: {  	_ = 	snop  }
0x3c: {  	p2 =	seq.s32 s10, $0x1;
	s10 =	sld [smem:$0x3FB0]  }
0x3d: {  	_ =	shalt  }
0x3e: {  	_ =	shalt  }
0x3f: {  	_ =	shalt  }
0x40: {  	_ =	shalt  }
0x41: {  	_ =	shalt  }
0x42: {  	_ =	shalt  }
0x43: {  	_ =	shalt  }
0x44: {  	_ =	shalt  }
0x45: {  	_ =	shalt  }
0x46: {  	_ =	shalt  }
0x47: {  	_ =	shalt  }
0x48: {  	_ =	shalt  }
0x49: {  	_ =	shalt  }
0x4a: {  	_ =	shalt  }
0x4b: {  	_ =	shalt  }
0x4c: {  	_ =	shalt  }
0x4d: {  	_ =	shalt  }
0x4e: {  	_ =	shalt  }
0x4f: {  	_ =	shalt  }
0x50: {  	_ =	shalt  }
0x51: {  	_ =	shalt  }
0x52: {  	_ =	shalt  }
0x53: {  	_ =	shalt  }
0x54: {  	_ =	shalt  }
0x55: {  	_ =	shalt  }
0x56: {  	_ =	shalt  }
0x57: {  	_ =	shalt  }
0x58: {  	_ =	shalt  }
0x59: {  	_ =	shalt  }
0x5a: {  	_ =	shalt  }
0x5b: {  	_ =	shalt  }
0x5c: {  	_ =	shalt  }
0x5d: {  	_ =	shalt  }
0x5e: {  	_ =	shalt  }
0x5f: {  	_ =	shalt  }
0x60: {  	_ =	shalt  }
0x61: {  	_ =	shalt  }
0x62: {  	_ =	shalt  }
0x63: {  	_ =	shalt  }
0x64: {  	_ =	shalt  }
0x65: {  	_ =	shalt  }
0x66: {  	_ =	shalt  }
0x67: {  	_ =	shalt  }
0x68: {  	_ =	shalt  }
0x69: {  	_ =	shalt  }
0x6a: {  	_ =	shalt  }
0x6b: {  	_ =	shalt  }
0x6c: {  	_ =	shalt  }
0x6d: {  	_ =	shalt  }
0x6e: {  	_ =	shalt  }
0x6f: {  	_ =	shalt  }
0x70: {  	_ =	shalt  }
0x71: {  	_ =	shalt  }
0x72: {  	_ =	shalt  }
0x73: {  	_ =	shalt  }
0x74: {  	_ =	shalt  }
0x75: {  	_ =	shalt  }
0x76: {  	_ =	shalt  }
0x77: {  	_ =	shalt  }
0x78: {  	_ =	shalt  }
0x79: {  	_ =	shalt  }
0x7a: {  	_ =	shalt  }
0x7b: {  	_ =	shalt  }
0x7c: {  	_ =	shalt  }
0x7d: {  	_ =	shalt  }
0x7e: {  	_ =	shalt  }
0x7f: {  	_ =	shalt  }
0x80: {  	_ =	shalt  }
0x81: {  	_ =	shalt  }
0x82: {  	_ =	shalt  }
0x83: {  	_ =	shalt  }
0x84: {  	_ =	shalt  }
0x85: {  	_ =	shalt  }
0x86: {  	_ =	shalt  }
0x87: {  	_ =	shalt  }
.Lfunc_end0:
.L_simem_size_0:
called_computation.1_lowered:
.L_overlay_start_0:
0x88: {  	s2 =	sld [smem:$0x3FD9]  }
0x89: {  	s3 =	sld [smem:$0x3FFE];
	_ =	sdelay $0x1  }
0x8a: {  	s1 =	srdreg.scid  }
0x8b: {  	s0 =	sand.u32 $0x1, s1  }
0x8c: {  	s16 =	sshll.u32 s0, $0xA;
	s2 =	sadd.s32 s3, s2  }
0x8d: {  	s2 =	sadd.s32 s2, s16  }
0x8e: {  	[smem:$0x3FBC] =	sst s2  }
0x8f: {  	_ = 	snop  }
0x90: {  	(tm) =	ssettm $0x1  }
0x91: {  	s17 =	sld [smem:$0x3FFB];
	_ =	sdelay $0x3  }
0x92: {  	_ =	strace s17  }
0x93: {  	s2 =	sld [smem:$0x3FFC];
	_ =	sdelay $0x3  }
0x94: {  	_ =	strace s2  }
0x95: {  	s2 =	sld [smem:$0x3FFD];
	_ =	sdelay $0x3  }
0x96: {  	_ =	strace s2  }
0x97: {  	_ =	strace $0x8FFFFFFF  }
0x98: {  	s18 =	sld [smem:$0x3FDB];
	_ =	sdelay $0x1  }
0x99: {  	s19 =	simm.s32 $_scs_section_size  }
0x9a: {  	s4 =	simm.s32 $_size__tile_overlayer_lowered;
	s5 =	simm.s32 $_tile_overlayer_lowered  }
0x9b: {  	s22 =	simm.s32 $0x1BFF;
	s21 =	sshll.u32 s5, $0x1;
	s2 =	sadd.s32 s19, s18  }
0x9c: {  	s6 =	simm.s32 $0x0;
	s20 =	sshll.u32 s4, $0x1;
	s4 =	sadd.s32 s21, s2  }
0x9d: {  	[timem:s6], [sflag:s22] =	dma.local [hbm:s4], s20  }
0x9e: {  	_ =	swait.ge [sflag:s22], s20  }
0x9f: {  	s3 =	ssub.s32 $0x0, s20;
	[sflag:s22] =	ssyncset.done $0x0  }
0xa0: {  	[sflag:s22] =	ssyncadd.s32 s3;
	_ =	sdelay $0x1  }
0xa1: {  	s23 =	simm.s32 $0x1B8B  }
0xa2: {  	_ =	swait.ge [sflag:s23], $0x1  }
0xa3: {  	[sflag:s23] =	ssyncset.done $0x0  }
0xa4: {  	s25 =	simm.s32 $0x1B8E;
	s24 =	sld [smem:$0x3FFE];
	[sflag:s23] =	ssyncadd.s32 $0xFFFFFFFF  }
0xa5: {  	s26 =	simm.s32 $execute0_lowered;
	[smem:$0x3FD2] =	sst s25  }
0xa6: {  	s4 =	sshll.u32 s26, $0x1;
	_ =	strace $0x80000049;
	[dreg:$0x1] =	wrdreg $0xFFFFFFFF  }
0xa7: {  	s28 =	simm.s32 $_size_execute0_lowered;
	s2 =	sadd.s32 s2, s4;
	[dreg:$0x0] =	wrdreg $0x0  }
0xa8: {  	s4 =	sshll.u32 s28, $0x1;
	[dreg:$0x2] =	wrdreg s2  }
0xa9: {  	[dreg:$0x3] =	wrdreg s4  }
0xaa: {  	[dreg:$0x4] =	wrdreg $0xC0  }
0xab: {  	_ =	task [dreg:s6], $0x5FFFF  }
0xac: {  	[dreg:$0x1] =	wrdreg $0xFFFFFFFF  }
0xad: {  	[dreg:$0x0] =	wrdreg $0x60  }
0xae: {  	[dreg:$0x2] =	wrdreg s24  }
0xaf: {  	[dreg:$0x3] =	wrdreg $0x15A00  }
0xb0: {  	[dreg:$0x4] =	wrdreg $0xD8F00  }
0xb1: {  	[dreg:$0x5] =	wrdreg $0x9  }
0xb2: {  	_ =	task.clear_ibuf [dreg:s6], $0x6FFFF;
	_ =	strace $0x90000049  }
0xb3: {  	s29 =	simm.s32 $0x9;
	_ =	strace $0x8000004B  }
0xb4: {  	_ =	swait.ge [sflag:s29], $0x1  }
0xb5: {  	[sflag:s29] =	ssyncadd.s32 $0xFFFFFFFF  }
0xb6: {  	_ =	strace $0x9000004B  }
0xb7: {  	_ =	sfence  }
0xb8: {  	s30 =	sld [smem:$0x0];
	_ =	sdelay $0x2  }
0xb9: {  	s31 =	sshll.u32 s1, $0xD;
	s1 =	sshrl.u32 s1, $0x2  }
0xba: {  	s3 =	sand.u32 $0x4000, s31;
	s1 =	sadd.s32 s1, s30  }
0xbb: {  	s0 =	sor.u32 s3, s0;
	s1 =	sshll.u32 s1, $0x11  }
0xbc: {  	s0 =	sor.u32 s1, s0  }
0xbd: {  	s0 =	sadd.s32 $0x8F2B, s0  }
0xbe: {  	[sflag:s0] =	ssyncadd.remote.s32 $0x1  }
0xbf: {  	_ =	sfence.sel $0xFFFF  }
0xc0: {  	[dreg:$0x0] =	wrdreg $0xFFFFFFFF;
	(pc) =	sbr.abs _section_cstart, $3  }
0xc1: {  	[dreg:$0x1] =	wrdreg $0xFFFFFFFF  }
0xc2: {  	_ =	task.clear_ibuf [dreg:s6], $0x2FFFF;
	_ =	strace $0x9FFFFFFF  }
0xc3: {  	(tm) =	ssettm $0x7FFFFFFF  }
tec
execute0_lowered:
.L_overlay_start_1:
0x0: {  	(tag) =	ssettag $0x1  }
0x1: {  	s0 =	rddreg [dreg:$0x0]  }
0x2: {  	s1 =	rddreg [dreg:$0x1]  }
0x3: {  	s2 =	rddreg [dreg:$0x2]  }
0x4: {  	s3 =	simm.s32 $0x0;
	s7 =	srdreg.scid;
	s17 =	stileid.u32  }
0x5: {  	s18 =	simm.s32 $0x140;
	s19 =	simm.s32 $0xB90;
	s20 =	simm.s32 $0x3  }
0x6: {  	s21 =	simm.s32 $0x1;
	s22 =	simm.s32 $0x2;
	s23 =	simm.s32 $0x190  }
0x7: {  	s24 =	simm.s32 $0x690;
	s25 =	simm.s32 $0x1090;
	s26 =	simm.s32 $0x1590  }
0x8: {  	s28 =	simm.s32 $0xA0;
	s29 =	simm.s32 $0xF0;
	[smem:$0x7FF] =	sst s3  }
0x9: {  	s4 =	sadd.s32 $0x497200, s0;
	s5 =	sadd.s32 $0x65000, s0;
	s6 =	sadd.s32 $0xF600, s0  }
0xa: {  	s8 =	sadd.s32 $0x435A00, s0;
	s9 =	sadd.s32 $0x466800, s0;
	s7 =	sand.u32 $0x1, s7  }
0xb: {  	s10 =	sadd.s32 $0x40400, s0;
	s11 =	sadd.s32 $0x47F000, s0;
	s15 =	smul.u32 $0x61B, s17  }
.Ltmp0:
0xc: {  	s12 =	sadd.s32 $0x58C00, s0;
	s13 =	ssub.s32 $0x2, s7;
	(pc) =	sbr.rel .LBB2_1-.Ltmp0, $4  }
0xd: {  	v0 =	vlaneseq.u32;
	_ =	strace $0x8000004A;
	s31 =	sshll.u32 s7, $0x4;
	s14 =	sshrl.u32 s13, $0x1  }
0xe: {  	v1 =	vimm.f32 $0.0e+00;
	v2 =	vshrl.u32 v0, $0x2;
	v3 =	vand.u32 $0x3, v0;
	p0 =	seq.s32 s7, $0x1;
	s16 =	sor.u32 s17, s31;
	s30 =	ssub.s32 s13, s14  }
0xf: {  	v4 =	vshrl.u32 v0, $0x1;
	v5 =	vshrl.u32 v0, $0x3;
	v6 =	vand.u32 $0x7, v0;
	s13 =	smul.u32 $0xC35, s17;
	s14 =	smin.u32 s15, $0x5B8D;
	s0 =	smax.u32 s30, $0x1  }
0x10: {  	v7 =	vadd.s32 $0x4, v6;
	v8 =	vor.u32 $0x8, v4;
	v9 =	vor.u32 $0x2, v5;
	s15 =	smul.u32 $0x30D40, s16;
	s17 =	simm.s32 $0x50;
	[dreg:$0x4] =	wrdreg s0  }
.LBB2_26:
0x11: {  	s3 =	sadd.s32 $0x1, s3;
	s0 =	rddreg [dreg:$0x4]  }
0x12: {  	p1 =	sne.s32 s3, s0  }
.Ltmp1:
0x13: {  	_ = 	snop;
	(pc) =	sbr.rel @!p1 .LBB2_27-.Ltmp1, $1  }
0x14: {  	_ =	sdelay $0x3  }
.LBB2_1:
0x15: {  	s0 =	simm.s32 $0x40;
	s7 =	simm.s32 $0x0  }
.LBB2_2:
0x16: {  	p1 =	sne.s32 s0, $0x13C0;
	[tilespmem:s7+$0xB90] =	vst v1;
	s7 =	smov.u32 s0;
	s0 =	sadd.s32 $0x40, s0  }
.Ltmp2:
0x17: {  	(pc) =	sbr.rel @p1 .LBB2_2-.Ltmp2, $2  }
0x18: {  	_ =	sdelay $0x2  }
0x19: {  	s7 =	sshra.s32 s7, $0x2  }
0x1a: {  	s0 =	simm.s32 $0x0  }
0x1b: {  	s16 =	smin.u32 s0, $0xBE5  }
0x1c: {  	s31 =	sadd.s32 s13, s16  }
0x1d: {  	[tilespmem:s7+$0xB90] =	vst v1;
	v10 =	vadd.s32 s31, v0;
	s7 =	sadd.s32 $0x40, s31  }
0x1e: {  	s16 =	sadd.s32 $0x30, s31;
	[tilespmem:$0x140] =	vst v10;
	v11 =	vadd.s32 s7, v0  }
0x1f: {  	s30 =	simm.s32 $0x50;
	s7 =	sadd.s32 $0x20, s31;
	v10 =	vadd.s32 s16, v0;
	[tilespmem:$0x180] =	vst v11  }
.LBB2_4:
0x20: {  	p1 =	sne.s32 s30, $0xC30;
	s16 =	sadd.s32 $0x10, s31;
	v11 =	vadd.s32 s7, v0;
	[tilespmem:$0x170] =	vst v10  }
0x21: {  	v10 =	vadd.s32 s16, v0;
	[tilespmem:$0x160] =	vst v11  }
0x22: {  	[tilespmem:$0x150] =	vst v10;
	[spmem:s1] =	stream.indirect.scatter [tilespmem:s19], [sflag:$0x3], $0x10, s18, s17, $0xb8  }
.Ltmp3:
0x23: {  	s7 =	smin.u32 s30, $0xBE5;
	_ =	swait.ge [sflag:s20], $0x500;
	(pc) =	sbr.rel @p1 .LBB2_4-.Ltmp3, $4  }
0x24: {  	s31 =	sadd.s32 s13, s7;
	[sflag:s20] =	ssyncset.done $0x0  }
0x25: {  	v10 =	vadd.s32 s31, v0;
	s7 =	sadd.s32 $0x40, s31;
	[sflag:s20] =	ssyncadd.s32 $0xFFFFFB00  }
0x26: {  	s16 =	sadd.s32 $0x30, s31;
	v11 =	vadd.s32 s7, v0;
	[tilespmem:$0x140] =	vst v10  }
0x27: {  	s30 =	sadd.s32 $0x50, s30;
	s7 =	sadd.s32 $0x20, s31;
	v10 =	vadd.s32 s16, v0;
	[tilespmem:$0x180] =	vst v11  }
0x28: {  	s16 =	sadd.s32 $0x10, s31;
	v11 =	vadd.s32 s7, v0;
	[tilespmem:$0x170] =	vst v10  }
0x29: {  	v10 =	vadd.s32 s16, v0;
	[tilespmem:$0x160] =	vst v11  }
0x2a: {  	[tilespmem:$0x150] =	vst v10  }
0x2b: {  	[spmem:s1] =	stream.indirect.scatter [tilespmem:s19], [sflag:$0x3], $0x10, s18, s17, $0xb8;
	[tilespmem:$0x13A98] =	vst v63  }
0x2c: {  	s0 =	smin.u32 s0, $0x5CB;
	_ =	swait.ge [sflag:s20], $0x500  }
0x2d: {  	s30 =	sadd.s32 s14, s0;
	[sflag:s20] =	ssyncset.done $0x0  }
0x2e: {  	v10 =	vadd.s32 s30, v0;
	s0 =	sadd.s32 $0x40, s30;
	[sflag:s20] =	ssyncadd.s32 $0xFFFFFB00  }
0x2f: {  	s31 =	sadd.s32 $0x30, s30;
	v11 =	vadd.s32 s0, v0;
	[tilespmem:$0x140] =	vst v10  }
0x30: {  	s7 =	sadd.s32 $0x20, s30;
	s0 =	simm.s32 $0x50;
	v10 =	vadd.s32 s31, v0;
	[tilespmem:$0x180] =	vst v11  }
.LBB2_6:
0x31: {  	p1 =	sne.s32 s0, $0x5F0;
	s16 =	sadd.s32 $0x10, s30;
	v11 =	vadd.s32 s7, v0;
	[tilespmem:$0x170] =	vst v10  }
0x32: {  	v10 =	vadd.s32 s16, v0;
	[tilespmem:$0x160] =	vst v11  }
0x33: {  	[tilespmem:$0x150] =	vst v10;
	[spmem:s2] =	stream.indirect.scatter [tilespmem:s19], [sflag:$0x3], $0x10, s18, s17, $0xb8  }
.Ltmp4:
0x34: {  	s7 =	smin.u32 s0, $0x5CB;
	_ =	swait.ge [sflag:s20], $0x500;
	(pc) =	sbr.rel @p1 .LBB2_6-.Ltmp4, $4  }
0x35: {  	s30 =	sadd.s32 s14, s7;
	[sflag:s20] =	ssyncset.done $0x0  }
0x36: {  	v10 =	vadd.s32 s30, v0;
	s7 =	sadd.s32 $0x40, s30;
	[sflag:s20] =	ssyncadd.s32 $0xFFFFFB00  }
0x37: {  	s16 =	sadd.s32 $0x30, s30;
	v11 =	vadd.s32 s7, v0;
	[tilespmem:$0x140] =	vst v10  }
0x38: {  	s0 =	sadd.s32 $0x50, s0;
	s7 =	sadd.s32 $0x20, s30;
	v10 =	vadd.s32 s16, v0;
	[tilespmem:$0x180] =	vst v11  }
0x39: {  	s0 =	sadd.s32 $0x10, s30;
	v11 =	vadd.s32 s7, v0;
	[tilespmem:$0x170] =	vst v10  }
0x3a: {  	v10 =	vadd.s32 s0, v0;
	[tilespmem:$0x160] =	vst v11  }
0x3b: {  	[tilespmem:$0x150] =	vst v10  }
0x3c: {  	[spmem:s2] =	stream.indirect.scatter [tilespmem:s19], [sflag:$0x3], $0x10, s18, s17, $0xb8;
	[tilespmem:$0x13A98] =	vst v63  }
0x3d: {  	_ =	swait.ge [sflag:s20], $0x500  }
0x3e: {  	[sflag:s20] =	ssyncset.done $0x0  }
0x3f: {  	[sflag:s20] =	ssyncadd.s32 $0xFFFFFB00  }
0x40: {  	s30 =	simm.s32 $0x0;
	s31 =	simm.s32 $0x0;
	[bflag:$0x0] =	sbarrier.arrive $0xFFFF  }
.LBB2_8:
0x41: {  	s0 =	smul.u32 $0x50, s31;
	_ =	sdelay $0x1  }
0x42: {  	s0 =	sadd.s32 s15, s0  }
0x43: {  	s0 =	sshrl.u32 s0, $0x3  }
0x44: {  	s7 =	sadd.s32 s4, s0  }
0x45: {  	[tilespmem:s30], [sflag:$0x1] =	stream.linear.gather [hbm4b:s7+s30], $0x50, $0x38;
	[tilespmem:$0x13A98] =	vst v63  }
0x46: {  	s0 =	sadd.s32 s5, s0  }
0x47: {  	[tilespmem:s17], [sflag:$0x2] =	stream.linear.gather [hbm4b:s0+s30], $0x50, $0x38;
	[tilespmem:$0x13A98] =	vst v63  }
0x48: {  	_ =	swait.ge [sflag:s21], $0x50  }
0x49: {  	[sflag:s21] =	ssyncset.done $0x0  }
0x4a: {  	[sflag:s21] =	ssyncadd.s32 $0xFFFFFFB0  }
0x4b: {  	_ =	swait.ge [sflag:s22], $0x50  }
0x4c: {  	[sflag:s22] =	ssyncset.done $0x0  }
0x4d: {  	[sflag:s22] =	ssyncadd.s32 $0xFFFFFFB0  }
0x4e: {  	[tilespmem:s23], [sflag:$0x1] =	stream.indirect.gather [hbm4b:s6+s17], $0x10, s30, s17, $0xb8;
	[tilespmem:$0x13A98] =	vst v63  }
0x4f: {  	_ = 	snop  }
0x50: {  	[tilespmem:s24], [sflag:$0x2] =	stream.indirect.gather [hbm4b:s8+s17], $0x10, s17, s17, $0xb8;
	[tilespmem:$0x13A98] =	vst v63  }
0x51: {  	v10 =	vld [tilespmem:$0x50];
	_ =	sdelay $0x1  }
0x52: {  	v11 =	vld [tilespmem:$0x60];
	_ =	sdelay $0x1  }
0x53: {  	v12 =	vld [tilespmem:$0x70]  }
0x54: {  	v13 =	vshra.s32 v10, $0x2  }
0x55: {  	v63 =	vld [tilespmem:$0x80];
	v10 =	vshra.s32 v10, $0x1;
	[tilespmem:$0xF0] =	vst v13  }
0x56: {  	[tilespmem:$0xA0] =	vst v10;
	v10 =	vshra.s32 v11, $0x2  }
0x57: {  	[tilespmem:$0x100] =	vst v10;
	v10 =	vshra.s32 v11, $0x1;
	v11 =	vld [tilespmem:$0x90]  }
0x58: {  	[tilespmem:$0xB0] =	vst v10;
	v10 =	vshra.s32 v12, $0x2  }
0x59: {  	[tilespmem:$0x110] =	vst v10;
	v10 =	vshra.s32 v12, $0x1  }
0x5a: {  	[tilespmem:$0xC0] =	vst v10;
	v10 =	vshra.s32 v63, $0x2  }
0x5b: {  	[tilespmem:$0x120] =	vst v10;
	v10 =	vshra.s32 v63, $0x1  }
0x5c: {  	[tilespmem:$0xD0] =	vst v10;
	v10 =	vshra.s32 v11, $0x2  }
0x5d: {  	[tilespmem:$0x130] =	vst v10;
	v10 =	vshra.s32 v11, $0x1  }
0x5e: {  	[tilespmem:$0xE0] =	vst v10  }
0x5f: {  	_ =	swait.ge [sflag:s21], $0x500  }
0x60: {  	[sflag:s21] =	ssyncset.done $0x0  }
0x61: {  	[sflag:s21] =	ssyncadd.s32 $0xFFFFFB00  }
0x62: {  	_ =	swait.ge [sflag:s22], $0x500  }
0x63: {  	[sflag:s22] =	ssyncset.done $0x0  }
0x64: {  	s7 =	simm.s32 $0x0;
	s0 =	simm.s32 $0x40;
	[sflag:s22] =	ssyncadd.s32 $0xFFFFFB00  }
.LBB2_9:
0x65: {  	p1 =	sne.s32 s0, $0x13C0;
	[tilespmem:s7+$0x1090] =	vst v1;
	s7 =	smov.u32 s0;
	s0 =	sadd.s32 $0x40, s0  }
.Ltmp5:
0x66: {  	(pc) =	sbr.rel @p1 .LBB2_9-.Ltmp5, $2  }
0x67: {  	_ =	sdelay $0x2  }
0x68: {  	s7 =	sshra.s32 s7, $0x2  }
0x69: {  	[tilespmem:s7+$0x1090] =	vst v1;
	s0 =	simm.s32 $0x0;
	s7 =	simm.s32 $0x40;
	s16 =	simm.s32 $0x0  }
.LBB2_11:
0x6a: {  	p1 =	sne.s32 s7, $0x13C0;
	[tilespmem:s16+$0xB90] =	vst v1;
	s16 =	smov.u32 s7;
	s7 =	sadd.s32 $0x40, s7  }
.Ltmp6:
0x6b: {  	(pc) =	sbr.rel @p1 .LBB2_11-.Ltmp6, $2  }
0x6c: {  	_ =	sdelay $0x2  }
0x6d: {  	s16 =	sshra.s32 s16, $0x2  }
0x6e: {  	[tilespmem:s16+$0xB90] =	vst v1  }
.LBB2_13:
0x6f: {  	v10 =	vor.u32 s0, v2  }
0x70: {  	v11 =	vshll.u32 v10, $0x4  }
0x71: {  	v12 =	vor.u32 v3, v11;
	_ =	sdelay $0x4  }
0x72: {  	v13 =	vld.idx.msk [tilespmem:v12+s23+$0x0], $0xffff  }
0x73: {  	v12 =	vld.idx.msk [tilespmem:v12+s24+$0x0], $0xffff;
	_ =	sdelay $0x4  }
0x74: {  	v12 =	vadd.f32 v12, v13;
	_ =	sdelay $0x1  }
0x75: {  	v13 =	vmul.f32 $2.000000030e-01, v12;
	_ =	sdelay $0x1  }
0x76: {  	v12 =	vmax.f32 v12, v13  }
0x77: {  	v12 =	vmul.f32 $1.442695020e+00, v12;
	_ =	sdelay $0x1  }
0x78: {  	(erf) = vpow2.f32 v12;
	_ =	sdelay $0x8  }
0x79: {  	v12 =	vpop (erf)  }
0x7a: {  	[tilespmem:$0x1590] =	vst v12  }
0x7b: {  	v10 =	vld.idx.msk [tilespmem:v10+s17+$0x0], $0xffff;
	_ =	sdelay $0x4  }
0x7c: {  	v10 =	vshll.u32 v10, $0x2  }
0x7d: {  	v10 =	vor.u32 v3, v10  }
0x7e: {  	v10 =	vand.u32 $0xF, v10  }
0x7f: {  	v10 =	vor.u32 v11, v10  }
0x80: {  	v11 =	vor.u32 s0, v5;
	_ =	sdelay $0x3  }
0x81: {  	[tilespmem:v10+s25+$0x0] =	vst.idx.msk $0xffff, v12  }
0x82: {  	v10 =	vshll.u32 v11, $0x4;
	v11 =	vld.idx.msk [tilespmem:v11+s17+$0x0], $0xffff  }
0x83: {  	v60 =	vor.u32 v7, v10;
	_ =	sdelay $0x3  }
0x84: {  	v61 =	vld.idx.msk [tilespmem:v4+s26+$0x0], $0xffff;
	v11 =	vshll.u32 v11, $0x3  }
0x85: {  	v12 =	vld.idx.msk [tilespmem:v60+s23+$0x0], $0xffff;
	v11 =	vand.u32 $0x8, v11  }
0x86: {  	v10 =	vor.u32 v11, v10  }
0x87: {  	v10 =	vor.u32 v6, v10  }
0x88: {  	v11 =	vor.u32 s0, v9;
	_ =	sdelay $0x1  }
0x89: {  	v12 =	vmul.f32 v12, v61;
	_ =	sdelay $0x1  }
0x8a: {  	[tilespmem:v10+s19+$0x0] =	vst.idx.msk $0xffff, v12  }
0x8b: {  	v10 =	vshll.u32 v11, $0x4;
	v11 =	vld.idx.msk [tilespmem:v11+s17+$0x0], $0xffff  }
0x8c: {  	v62 =	vor.u32 v7, v10;
	_ =	sdelay $0x3  }
0x8d: {  	v63 =	vld.idx.msk [tilespmem:v8+s26+$0x0], $0xffff;
	v11 =	vshll.u32 v11, $0x3  }
0x8e: {  	v12 =	vld.idx.msk [tilespmem:v62+s23+$0x0], $0xffff;
	v11 =	vand.u32 $0x8, v11  }
0x8f: {  	v10 =	vor.u32 v11, v10  }
0x90: {  	p1 =	sne.s32 s0, $0x4C;
	v10 =	vor.u32 v6, v10  }
.Ltmp7:
0x91: {  	_ = 	snop;
	(pc) =	sbr.rel @p1 .LBB2_13-.Ltmp7, $3  }
0x92: {  	_ = 	snop  }
0x93: {  	v11 =	vmul.f32 v12, v63;
	_ =	sdelay $0x1  }
0x94: {  	s0 =	sadd.s32 $0x4, s0;
	[tilespmem:v10+s19+$0x0] =	vst.idx.msk $0xffff, v11  }
0x95: {  	[spmem:s1] =	stream.indirect.scatter.add.f32 [tilespmem:s19], [sflag:$0x1], $0x10, s28, s17, $0xb8;
	[tilespmem:$0x13A98] =	vst v63  }
0x96: {  	s31 =	sadd.s32 $0x1, s31  }
0x97: {  	[spmem:s2] =	stream.indirect.scatter.add.f32 [tilespmem:s25], [sflag:$0x2], $0x10, s29, s17, $0xb8;
	[tilespmem:$0x13A98] =	vst v63  }
0x98: {  	p1 =	sne.s32 s31, $0x9C4;
	_ =	swait.ge [sflag:s21], $0x500  }
.Ltmp8:
0x99: {  	[sflag:s21] =	ssyncset.done $0x0;
	(pc) =	sbr.rel @p1 .LBB2_8-.Ltmp8, $4  }
0x9a: {  	[sflag:s21] =	ssyncadd.s32 $0xFFFFFB00  }
0x9b: {  	_ =	swait.ge [sflag:s22], $0x500  }
0x9c: {  	[sflag:s22] =	ssyncset.done $0x0  }
0x9d: {  	[sflag:s22] =	ssyncadd.s32 $0xFFFFFB00  }
.Ltmp9:
0x9e: {  	(pc) =	sbr.rel @!p0 .LBB2_16-.Ltmp9, $4  }
0x9f: {  	s30 =	simm.s32 $0x0  }
0xa0: {  	s0 =	smin.u32 s30, $0xBE5  }
0xa1: {  	[bflag:$0x0] =	sbarrier.arrive $0xFFFF;
	s0 =	sadd.s32 s13, s0  }
0xa2: {  	v10 =	vadd.s32 s0, v0;
	s7 =	sadd.s32 $0x10, s0  }
0xa3: {  	[tilespmem:$0x140] =	vst v10;
	v10 =	vadd.s32 s7, v0;
	s31 =	sadd.s32 $0x30, s0  }
0xa4: {  	s16 =	sadd.s32 $0x40, s0;
	[tilespmem:$0x150] =	vst v10;
	v10 =	vadd.s32 s31, v0  }
0xa5: {  	s31 =	sadd.s32 $0x20, s0;
	v11 =	vadd.s32 s16, v0;
	[tilespmem:$0x170] =	vst v10  }
0xa6: {  	v10 =	vadd.s32 s31, v0;
	[tilespmem:$0x180] =	vst v11  }
0xa7: {  	[tilespmem:$0x160] =	vst v10  }
0xa8: {  	[tilespmem:s19], [sflag:$0x3] =	stream.indirect.gather [spmem:s1], $0x10, s18, s17, $0xb8;
	[tilespmem:$0x13A98] =	vst v63  }
0xa9: {  	_ =	swait.ge [sflag:s20], $0x500  }
0xaa: {  	[sflag:s20] =	ssyncset.done $0x0  }
0xab: {  	s0 =	sadd.s32 $0x50, s30;
	[sflag:s20] =	ssyncadd.s32 $0xFFFFFB00  }
.LBB2_22:
0xac: {  	[hbm4b:s10+s17] =	stream.indirect.scatter [tilespmem:s19], [sflag:$0x3], $0x10, s18, s17, $0xb8;
	[tilespmem:$0x13A98] =	vst v63  }
0xad: {  	s7 =	smin.u32 s0, $0xBE5;
	p1 =	sne.s32 s0, $0xC30;
	_ =	swait.ge [sflag:s20], $0x500  }
0xae: {  	s0 =	sadd.s32 $0x50, s0;
	s7 =	sadd.s32 s13, s7;
	[sflag:s20] =	ssyncset.done $0x0  }
0xaf: {  	v10 =	vadd.s32 s7, v0;
	s16 =	sadd.s32 $0x10, s7;
	s31 =	sadd.s32 $0x20, s7;
	[sflag:s20] =	ssyncadd.s32 $0xFFFFFB00  }
0xb0: {  	v11 =	vadd.s32 s31, v0;
	[tilespmem:$0x140] =	vst v10;
	v10 =	vadd.s32 s16, v0;
	s16 =	sadd.s32 $0x30, s7;
	s7 =	sadd.s32 $0x40, s7  }
0xb1: {  	[tilespmem:$0x150] =	vst v10;
	v10 =	vadd.s32 s16, v0;
	v12 =	vadd.s32 s7, v0  }
0xb2: {  	[tilespmem:$0x170] =	vst v10  }
0xb3: {  	[tilespmem:$0x180] =	vst v12  }
.Ltmp10:
0xb4: {  	[tilespmem:$0x160] =	vst v11;
	(pc) =	sbr.rel @p1 .LBB2_22-.Ltmp10, $4  }
0xb5: {  	[tilespmem:s19], [sflag:$0x3] =	stream.indirect.gather [spmem:s1], $0x10, s18, s17, $0xb8;
	[tilespmem:$0x13A98] =	vst v63  }
0xb6: {  	_ =	swait.ge [sflag:s20], $0x500  }
0xb7: {  	[sflag:s20] =	ssyncset.done $0x0  }
0xb8: {  	[sflag:s20] =	ssyncadd.s32 $0xFFFFFB00  }
0xb9: {  	[hbm4b:s10+s17] =	stream.indirect.scatter [tilespmem:s19], [sflag:$0x3], $0x10, s18, s17, $0xb8;
	[tilespmem:$0x13A98] =	vst v63  }
0xba: {  	s0 =	smin.u32 s30, $0x5CB;
	_ =	swait.ge [sflag:s20], $0x500  }
0xbb: {  	s0 =	sadd.s32 s14, s0;
	[sflag:s20] =	ssyncset.done $0x0  }
0xbc: {  	v10 =	vadd.s32 s0, v0;
	s16 =	sadd.s32 $0x40, s0;
	[sflag:s20] =	ssyncadd.s32 $0xFFFFFB00  }
0xbd: {  	s7 =	sadd.s32 $0x10, s0;
	v11 =	vadd.s32 s16, v0;
	[tilespmem:$0x140] =	vst v10  }
0xbe: {  	s31 =	sadd.s32 $0x30, s0;
	v10 =	vadd.s32 s7, v0;
	[tilespmem:$0x180] =	vst v11  }
0xbf: {  	s0 =	sadd.s32 $0x20, s0;
	[tilespmem:$0x150] =	vst v10;
	v10 =	vadd.s32 s31, v0  }
0xc0: {  	[tilespmem:$0x170] =	vst v10;
	v10 =	vadd.s32 s0, v0  }
0xc1: {  	[tilespmem:$0x160] =	vst v10  }
0xc2: {  	[tilespmem:s19], [sflag:$0x3] =	stream.indirect.gather [spmem:s2], $0x10, s18, s17, $0xb8;
	[tilespmem:$0x13A98] =	vst v63  }
0xc3: {  	_ =	swait.ge [sflag:s20], $0x500  }
0xc4: {  	[sflag:s20] =	ssyncset.done $0x0  }
0xc5: {  	s0 =	simm.s32 $0x50;
	[sflag:s20] =	ssyncadd.s32 $0xFFFFFB00  }
.LBB2_24:
0xc6: {  	[hbm4b:s12+s17] =	stream.indirect.scatter [tilespmem:s19], [sflag:$0x3], $0x10, s18, s17, $0xb8;
	[tilespmem:$0x13A98] =	vst v63  }
0xc7: {  	s7 =	smin.u32 s0, $0x5CB;
	p1 =	sne.s32 s0, $0x5F0;
	_ =	swait.ge [sflag:s20], $0x500  }
0xc8: {  	s0 =	sadd.s32 $0x50, s0;
	s7 =	sadd.s32 s14, s7;
	[sflag:s20] =	ssyncset.done $0x0  }
0xc9: {  	v10 =	vadd.s32 s7, v0;
	s16 =	sadd.s32 $0x10, s7;
	s30 =	sadd.s32 $0x20, s7;
	[sflag:s20] =	ssyncadd.s32 $0xFFFFFB00  }
0xca: {  	v11 =	vadd.s32 s30, v0;
	[tilespmem:$0x140] =	vst v10;
	v10 =	vadd.s32 s16, v0;
	s16 =	sadd.s32 $0x30, s7;
	s7 =	sadd.s32 $0x40, s7  }
0xcb: {  	[tilespmem:$0x150] =	vst v10;
	v10 =	vadd.s32 s16, v0;
	v12 =	vadd.s32 s7, v0  }
0xcc: {  	[tilespmem:$0x170] =	vst v10  }
0xcd: {  	[tilespmem:$0x180] =	vst v12  }
.Ltmp11:
0xce: {  	[tilespmem:$0x160] =	vst v11;
	(pc) =	sbr.rel @p1 .LBB2_24-.Ltmp11, $4  }
0xcf: {  	[tilespmem:s19], [sflag:$0x3] =	stream.indirect.gather [spmem:s2], $0x10, s18, s17, $0xb8;
	[tilespmem:$0x13A98] =	vst v63  }
0xd0: {  	_ =	swait.ge [sflag:s20], $0x500  }
0xd1: {  	[sflag:s20] =	ssyncset.done $0x0  }
0xd2: {  	[sflag:s20] =	ssyncadd.s32 $0xFFFFFB00  }
.Ltmp12:
0xd3: {  	(pc) =	sbr.rel .LBB2_26-.Ltmp12, $4  }
0xd4: {  	[hbm4b:s12+s17] =	stream.indirect.scatter [tilespmem:s19], [sflag:$0x3], $0x10, s18, s17, $0xb8;
	[tilespmem:$0x13A98] =	vst v63  }
0xd5: {  	_ =	swait.ge [sflag:s20], $0x500  }
0xd6: {  	[sflag:s20] =	ssyncset.done $0x0  }
0xd7: {  	[sflag:s20] =	ssyncadd.s32 $0xFFFFFB00  }
.LBB2_16:
0xd8: {  	[tilespmem:$0x140] =	vst v10;
	v10 =	vadd.s32 s7, v0;
	s31 =	sadd.s32 $0x30, s0  }
0xd9: {  	s16 =	sadd.s32 $0x40, s0;
	[tilespmem:$0x150] =	vst v10;
	v10 =	vadd.s32 s31, v0  }
0xda: {  	s31 =	sadd.s32 $0x20, s0;
	v11 =	vadd.s32 s16, v0;
	[tilespmem:$0x170] =	vst v10  }
0xdb: {  	v10 =	vadd.s32 s31, v0;
	[tilespmem:$0x180] =	vst v11  }
0xdc: {  	[tilespmem:$0x160] =	vst v10  }
0xdd: {  	[tilespmem:s19], [sflag:$0x3] =	stream.indirect.gather [spmem:s1], $0x10, s18, s17, $0xb8;
	[tilespmem:$0x13A98] =	vst v63  }
0xde: {  	_ =	swait.ge [sflag:s20], $0x500  }
0xdf: {  	[sflag:s20] =	ssyncset.done $0x0  }
0xe0: {  	s0 =	sadd.s32 $0x50, s30;
	[sflag:s20] =	ssyncadd.s32 $0xFFFFFB00  }
.LBB2_17:
0xe1: {  	[hbm4b:s9+s17] =	stream.indirect.scatter [tilespmem:s19], [sflag:$0x3], $0x10, s18, s17, $0xb8;
	[tilespmem:$0x13A98] =	vst v63  }
0xe2: {  	s7 =	smin.u32 s0, $0xBE5;
	p1 =	sne.s32 s0, $0xC30;
	_ =	swait.ge [sflag:s20], $0x500  }
0xe3: {  	s0 =	sadd.s32 $0x50, s0;
	s7 =	sadd.s32 s13, s7;
	[sflag:s20] =	ssyncset.done $0x0  }
0xe4: {  	v10 =	vadd.s32 s7, v0;
	s16 =	sadd.s32 $0x10, s7;
	s31 =	sadd.s32 $0x20, s7;
	[sflag:s20] =	ssyncadd.s32 $0xFFFFFB00  }
0xe5: {  	v11 =	vadd.s32 s31, v0;
	[tilespmem:$0x140] =	vst v10;
	v10 =	vadd.s32 s16, v0;
	s16 =	sadd.s32 $0x30, s7;
	s7 =	sadd.s32 $0x40, s7  }
0xe6: {  	[tilespmem:$0x150] =	vst v10;
	v10 =	vadd.s32 s16, v0;
	v12 =	vadd.s32 s7, v0  }
0xe7: {  	[tilespmem:$0x170] =	vst v10  }
0xe8: {  	[tilespmem:$0x180] =	vst v12  }
.Ltmp13:
0xe9: {  	[tilespmem:$0x160] =	vst v11;
	(pc) =	sbr.rel @p1 .LBB2_17-.Ltmp13, $4  }
0xea: {  	[tilespmem:s19], [sflag:$0x3] =	stream.indirect.gather [spmem:s1], $0x10, s18, s17, $0xb8;
	[tilespmem:$0x13A98] =	vst v63  }
0xeb: {  	_ =	swait.ge [sflag:s20], $0x500  }
0xec: {  	[sflag:s20] =	ssyncset.done $0x0  }
0xed: {  	[sflag:s20] =	ssyncadd.s32 $0xFFFFFB00  }
0xee: {  	[hbm4b:s9+s17] =	stream.indirect.scatter [tilespmem:s19], [sflag:$0x3], $0x10, s18, s17, $0xb8;
	[tilespmem:$0x13A98] =	vst v63  }
0xef: {  	s0 =	smin.u32 s30, $0x5CB;
	_ =	swait.ge [sflag:s20], $0x500  }
0xf0: {  	s0 =	sadd.s32 s14, s0;
	[sflag:s20] =	ssyncset.done $0x0  }
0xf1: {  	v10 =	vadd.s32 s0, v0;
	s16 =	sadd.s32 $0x40, s0;
	[sflag:s20] =	ssyncadd.s32 $0xFFFFFB00  }
0xf2: {  	s7 =	sadd.s32 $0x10, s0;
	v11 =	vadd.s32 s16, v0;
	[tilespmem:$0x140] =	vst v10  }
0xf3: {  	s31 =	sadd.s32 $0x30, s0;
	v10 =	vadd.s32 s7, v0;
	[tilespmem:$0x180] =	vst v11  }
0xf4: {  	s0 =	sadd.s32 $0x20, s0;
	[tilespmem:$0x150] =	vst v10;
	v10 =	vadd.s32 s31, v0  }
0xf5: {  	[tilespmem:$0x170] =	vst v10;
	v10 =	vadd.s32 s0, v0  }
0xf6: {  	[tilespmem:$0x160] =	vst v10  }
0xf7: {  	[tilespmem:s19], [sflag:$0x3] =	stream.indirect.gather [spmem:s2], $0x10, s18, s17, $0xb8;
	[tilespmem:$0x13A98] =	vst v63  }
0xf8: {  	_ =	swait.ge [sflag:s20], $0x500  }
0xf9: {  	[sflag:s20] =	ssyncset.done $0x0  }
0xfa: {  	s0 =	simm.s32 $0x50;
	[sflag:s20] =	ssyncadd.s32 $0xFFFFFB00  }
.LBB2_19:
0xfb: {  	[hbm4b:s11+s17] =	stream.indirect.scatter [tilespmem:s19], [sflag:$0x3], $0x10, s18, s17, $0xb8;
	[tilespmem:$0x13A98] =	vst v63  }
0xfc: {  	s7 =	smin.u32 s0, $0x5CB;
	p1 =	seq.s32 s0, $0x5F0;
	_ =	swait.ge [sflag:s20], $0x500  }
0xfd: {  	s0 =	sadd.s32 $0x50, s0;
	s7 =	sadd.s32 s14, s7;
	[sflag:s20] =	ssyncset.done $0x0  }
0xfe: {  	v10 =	vadd.s32 s7, v0;
	s16 =	sadd.s32 $0x10, s7;
	s30 =	sadd.s32 $0x20, s7;
	[sflag:s20] =	ssyncadd.s32 $0xFFFFFB00  }
0xff: {  	v11 =	vadd.s32 s30, v0;
	[tilespmem:$0x140] =	vst v10;
	v10 =	vadd.s32 s16, v0;
	s16 =	sadd.s32 $0x30, s7;
	s7 =	sadd.s32 $0x40, s7  }
0x100: {  	[tilespmem:$0x150] =	vst v10;
	v10 =	vadd.s32 s16, v0;
	v12 =	vadd.s32 s7, v0  }
0x101: {  	[tilespmem:$0x170] =	vst v10  }
0x102: {  	[tilespmem:$0x180] =	vst v12  }
.Ltmp14:
0x103: {  	[tilespmem:$0x160] =	vst v11;
	(pc) =	sbr.rel @!p1 .LBB2_19-.Ltmp14, $4  }
0x104: {  	[tilespmem:s19], [sflag:$0x3] =	stream.indirect.gather [spmem:s2], $0x10, s18, s17, $0xb8;
	[tilespmem:$0x13A98] =	vst v63  }
0x105: {  	_ =	swait.ge [sflag:s20], $0x500  }
0x106: {  	[sflag:s20] =	ssyncset.done $0x0  }
0x107: {  	[sflag:s20] =	ssyncadd.s32 $0xFFFFFB00  }
.Ltmp15:
0x108: {  	(pc) =	sbr.rel .LBB2_26-.Ltmp15, $4  }
0x109: {  	[hbm4b:s11+s17] =	stream.indirect.scatter [tilespmem:s19], [sflag:$0x3], $0x10, s18, s17, $0xb8;
	[tilespmem:$0x13A98] =	vst v63  }
0x10a: {  	_ =	swait.ge [sflag:s20], $0x500  }
0x10b: {  	[sflag:s20] =	ssyncset.done $0x0  }
0x10c: {  	[sflag:s20] =	ssyncadd.s32 $0xFFFFFB00  }
.LBB2_27:
0x10d: {  	_ =	sfence.sel $0x180000  }
0x10e: {  	[bflag:$0x0] =	sbarrier.arrive $0xFFFF  }
0x10f: {  	_ =	strace $0x9000004A  }
0x110: {  	s0 =	stileid.u32;
	[bflag:$0x2] =	sbarrier.arrive $0xFFFF  }
0x111: {  	p0 =	sne.s32 s0, $0x0;
	s0 =	rddreg [dreg:$0x3]  }
0x112: {  	s0 =	sadd.s32 @!p0 $0x100000, s0  }
0x113: {  	[sflag:s0] =	ssyncadd.tile.s32 @!p0 $0x1;
	_ =	shalt  }
.Lfunc_end2:
_tile_overlayer_lowered:
.L_overlay_start_2:
0x114: {  	(tag) =	ssettag $0x2  }
0x115: {  	s0 =	rddreg [dreg:$0x0];
	s2 =	stileid.u32  }
0x116: {  	s1 =	rddreg [dreg:$0x1];
	p0 =	sne.s32 s2, $0x0  }
0x117: {  	s3 =	rddreg [dreg:$0x2];
	[bflag:$0x3] =	sbarrier.arrive $0xFFFF;
	s2 =	simm.s32 @!p0 $0x1C03  }
0x118: {  	[timem:s3], [sflag:s2] =	dma.local @!p0 [hbm:s0], s1  }
0x119: {  	s0 =	simm.s32 @!p0 $0x3  }
0x11a: {  	_ =	swait.ge @!p0 [sflag:s0], s1  }
0x11b: {  	s1 =	ssub.s32 @!p0 $0x0, s1;
	[sflag:s0] =	ssyncset.done @!p0 $0x0  }
0x11c: {  	[sflag:s0] =	ssyncadd.s32 @!p0 s1  }
0x11d: {  	[bflag:$0x3] =	sbarrier.arrive $0xFFFF  }
0x11e: {  	_ =	shalt  }

</sc_bundles>
